<compile_context>
chip_gen: v7x
topology: tpu7x:2x2x1
jax: 0.10.2.dev20260603
libtpu: 0.0.44.dev20260713+nightly
codegen_flags: <defaults>
</compile_context>

<pallas_src>
import functools

import jax
import jax.numpy as jnp
from jax import lax
from jax.experimental import pallas as pl
from jax.experimental.pallas import tpu as pltpu
from jax.experimental.pallas import tpu_sc as plsc

_GY = 256
_GX = 256
_N_SIGMA = 2
_MIN_OBJ = 10.0

_NPTS = _GY * _GX
_NDUMMY = 2048
_NBINS = _NPTS + _NDUMMY
_NW = 16
_PTS_PER_W = _NPTS // _NW
_BINS_PER_S = _NBINS // 16
_OUT_PER_S = _NPTS // 16


def _emb_maps(pred_ref):
    step = jnp.float32(1.0 / 255.0)
    ym = lax.broadcasted_iota(jnp.int32, (_GY, _GX), 0).astype(jnp.float32)
    xm = lax.broadcasted_iota(jnp.int32, (_GY, _GX), 1).astype(jnp.float32)
    e0 = jnp.tanh(pred_ref[0]) + ym * step
    e1 = jnp.tanh(pred_ref[1]) + xm * step
    return e0, e1


def _prep_body(pred_ref, idx_ref):
    e0, e1 = _emb_maps(pred_ref)
    seed = jax.nn.sigmoid(pred_ref[2 + _N_SIGMA])
    pix0 = jnp.round(e0 * (_GY - 1.0) / 1.0).astype(jnp.int32)
    pix1 = jnp.round(e1 * (_GX - 1.0) / 1.0).astype(jnp.int32)
    valid = ((seed > 0.5) & (pix0 >= 0) & (pix1 >= 0)
             & (pix0 <= _GY - 1) & (pix1 <= _GX - 1))
    py = jnp.clip(pix0, 0, _GY - 1)
    px = jnp.clip(pix1, 0, _GX - 1)
    iy = lax.broadcasted_iota(jnp.int32, (_GY, _GX), 0)
    ix = lax.broadcasted_iota(jnp.int32, (_GY, _GX), 1)
    lin = iy * _GX + ix
    dummy = _NPTS + jnp.bitwise_and(lin, _NDUMMY - 1)
    idx = jnp.where(valid, py * _GX + px, dummy)
    idx_ref[...] = idx.reshape(_NPTS)


def _prep_call(prediction):
    return pl.pallas_call(
        _prep_body,
        out_shape=jax.ShapeDtypeStruct((_NPTS,), jnp.int32),
        in_specs=[
            pl.BlockSpec(memory_space=pltpu.VMEM),
        ],
    )(prediction)


_sc_mesh = plsc.VectorSubcoreMesh(core_axis_name="c", subcore_axis_name="s",
                                  num_cores=1)


@functools.partial(
    pl.kernel,
    mesh=_sc_mesh,
    out_type=jax.ShapeDtypeStruct((1, _NPTS), jnp.float32),
    scratch_types=[
        pltpu.VMEM((_PTS_PER_W,), jnp.int32),
        pltpu.VMEM((_PTS_PER_W,), jnp.float32),
        pltpu.VMEM((_BINS_PER_S,), jnp.float32),
        pltpu.VMEM_SHARED((_NBINS,), jnp.float32),
        pltpu.SemaphoreType.DMA,
    ],
)
def _hist_sc(idx_hbm, out_hbm, idx_v, ones_v, zbuf_v, shared, sem):
    c = lax.axis_index("c")
    s = lax.axis_index("s")
    base = s * _PTS_PER_W

    idx_cp = pltpu.async_copy(idx_hbm.at[pl.ds(base, _PTS_PER_W)], idx_v, sem)

    def _z(i, carry):
        for j in range(8):
            zbuf_v[pl.ds(i * 128 + j * 16, 16)] = jnp.zeros((16,), jnp.float32)
        return carry

    lax.fori_loop(0, _BINS_PER_S // 128, _z, 0)

    def _o(i, carry):
        for j in range(8):
            ones_v[pl.ds(i * 128 + j * 16, 16)] = jnp.ones((16,), jnp.float32)
        return carry

    lax.fori_loop(0, _PTS_PER_W // 128, _o, 0)
    pltpu.sync_copy(zbuf_v, shared.at[pl.ds(s * _BINS_PER_S, _BINS_PER_S)])
    idx_cp.wait()
    plsc.subcore_barrier()
    pltpu.sync_copy(ones_v, shared.at[idx_v], add=True)
    plsc.subcore_barrier()
    pltpu.sync_copy(shared.at[pl.ds(s * _OUT_PER_S, _OUT_PER_S)],
                    out_hbm.at[c, pl.ds(s * _OUT_PER_S, _OUT_PER_S)])


def _shift2d(x, di, dj):
    if di == -1:
        x = jnp.concatenate([x[1:2, :], x[:-1, :]], axis=0)
    elif di == 1:
        x = jnp.concatenate([x[1:, :], x[_GY - 2:_GY - 1, :]], axis=0)
    if dj == -1:
        x = jnp.concatenate([x[:, 1:2], x[:, :-1]], axis=1)
    elif dj == 1:
        x = jnp.concatenate([x[:, 1:], x[:, _GX - 2:_GX - 1]], axis=1)
    return x


def _smooth(x, w_ref, b):
    out = jnp.zeros_like(x)
    for i in range(3):
        for j in range(3):
            out = out + w_ref[i, j] * _shift2d(x, i - 1, j - 1)
    return out + b


def _cluster_body(pred_ref, hist_ref, w_ref, b_ref, out_ref,
                  emb0_ref, emb1_ref, sig0_ref, sig1_ref,
                  inst_ref, uncl_ref, dmap_ref):
    b = b_ref[0]
    e0, e1 = _emb_maps(pred_ref)
    emb0_ref[:, :] = e0
    emb1_ref[:, :] = e1
    seed = jax.nn.sigmoid(pred_ref[2 + _N_SIGMA])
    sigr0 = jnp.exp(jax.nn.sigmoid(pred_ref[2]) * 10.0)
    sigr1 = jnp.exp(jax.nn.sigmoid(pred_ref[3]) * 10.0)
    sig0_ref[:, :] = _smooth(sigr0, w_ref, b)
    sig1_ref[:, :] = _smooth(sigr1, w_ref, b)
    hist2d = hist_ref[0].reshape(_GY, _GX)
    sm = _smooth(hist2d, w_ref, b) * 9.0
    seeds = (sm >= 4.5) & (seed > 0.1)
    uncl_ref[:, :] = seeds.astype(jnp.float32)
    dmap_ref[:, :] = jnp.zeros((_GY, _GX), jnp.float32)
    inst_ref[:, :] = jnp.zeros((_GY, _GX), jnp.int32)

    mask = seed > 0.5
    iy = lax.broadcasted_iota(jnp.int32, (_GY, _GX), 0)
    ix = lax.broadcasted_iota(jnp.int32, (_GY, _GX), 1)
    lin = iy * _GX + ix
    colsel_i = lax.broadcasted_iota(jnp.int32, (1, _GX), 1)

    def body(carry):
        count, _ = carry
        uncl = uncl_ref[:, :]
        score = seed * uncl
        m = jnp.max(score)
        idx = jnp.min(jnp.where(score == m, lin, jnp.int32(2 ** 30)))
        y = idx // _GX
        x = idx - y * _GX
        csel = (colsel_i == x).astype(jnp.float32)
        c0 = jnp.sum(emb0_ref[pl.ds(y, 1), :] * csel)
        c1 = jnp.sum(emb1_ref[pl.ds(y, 1), :] * csel)
        s0 = jnp.sum(sig0_ref[pl.ds(y, 1), :] * csel)
        s1 = jnp.sum(sig1_ref[pl.ds(y, 1), :] * csel)
        d0 = emb0_ref[:, :] - c0
        d1 = emb1_ref[:, :] - c1
        q = d0 * d0 * s0 + d1 * d1 * s1
        dist = jnp.exp(-1.0 * q)
        dmap = dmap_ref[:, :]
        inst = inst_ref[:, :]
        proposal = (dist > dmap) & (dist > 0.5) & mask
        psum = jnp.sum(proposal.astype(jnp.float32))
        coll = jnp.sum(((inst > 0) & (dist > 0.5)).astype(jnp.float32))
        ok = (psum > 0.0) & (2.0 * coll < psum) & (psum >= _MIN_OBJ)
        okp = ok & proposal
        inst_ref[:, :] = jnp.where(okp, count, inst)
        new_uncl = jnp.where(okp, 0.0, uncl)
        new_uncl = jnp.where(lin == idx, 0.0, new_uncl)
        uncl_ref[:, :] = new_uncl
        dmap_ref[:, :] = jnp.where(proposal, dist, dmap)
        count = count + ok.astype(jnp.int32)
        return (count, jnp.sum(new_uncl))

    nnz0 = jnp.sum(uncl_ref[:, :])
    lax.while_loop(lambda c: c[1] > 0.0, body, (jnp.int32(1), nnz0))
    out_ref[:, :] = inst_ref[:, :].astype(jnp.int16)


def _cluster_call(prediction, hist, w, b):
    return pl.pallas_call(
        _cluster_body,
        out_shape=jax.ShapeDtypeStruct((_GY, _GX), jnp.int16),
        in_specs=[
            pl.BlockSpec(memory_space=pltpu.VMEM),
            pl.BlockSpec(memory_space=pltpu.VMEM),
            pl.BlockSpec(memory_space=pltpu.SMEM),
            pl.BlockSpec(memory_space=pltpu.SMEM),
        ],
        scratch_shapes=[
            pltpu.VMEM((_GY, _GX), jnp.float32),
            pltpu.VMEM((_GY, _GX), jnp.float32),
            pltpu.VMEM((_GY, _GX), jnp.float32),
            pltpu.VMEM((_GY, _GX), jnp.float32),
            pltpu.VMEM((_GY, _GX), jnp.int32),
            pltpu.VMEM((_GY, _GX), jnp.float32),
            pltpu.VMEM((_GY, _GX), jnp.float32),
        ],
    )(prediction, hist, w, b)


def kernel(prediction, smooth_w, smooth_b):
    idx = _prep_call(prediction)
    hist = _hist_sc(idx)
    return _cluster_call(prediction, hist, smooth_w, smooth_b)

# --- scband reference (transcript-rebuilt; emitter-appended) ---
"""Pipeline reference for scband-cluster-33354716021218 (READ-ONLY COPY).

The authoritative reference and input builder live on the scoring server;
editing this copy changes nothing except your own understanding.
"""

import jax, jax.numpy as jnp
from jax import lax
import numpy as np

GRID_Y = 256
GRID_X = 256
PIXEL_Y = 1.0
PIXEL_X = 1.0
N_SIGMA = 2
MIN_OBJ_SIZE = 10


def _make_yxm():
    xm = jnp.broadcast_to(jnp.linspace(0.0, PIXEL_X, GRID_X).reshape(1, 1, -1), (1, GRID_Y, GRID_X))
    ym = jnp.broadcast_to(jnp.linspace(0.0, PIXEL_Y, GRID_Y).reshape(1, -1, 1), (1, GRID_Y, GRID_X))
    return jnp.concatenate([ym, xm], 0).astype(jnp.float32)


def _smooth2d(x, w, b):
    # 3x3 mean conv (weights w) with reflect padding + bias, matching nn.Conv2d(padding='same', padding_mode='reflect')
    H, W = x.shape
    xp = jnp.pad(x, 1, mode='reflect')
    out = jnp.zeros_like(x)
    for i in range(3):
        for j in range(3):
            out = out + w[i, j] * xp[i:i + H, j:j + W]
    return out + b


def _degrid(meter, grid_size, pixel_size):
    return jnp.round(meter * (grid_size - 1.0) / pixel_size).astype(jnp.int32)


def _find_seeds(spatial_emb, sel2d, min_cluster_points, w, b):
    gs = jnp.array([GRID_Y, GRID_X], jnp.float32).reshape(2, 1, 1)
    ps = jnp.array([PIXEL_Y, PIXEL_X], jnp.float32).reshape(2, 1, 1)
    pix = _degrid(spatial_emb, gs, ps)
    valid = sel2d & jnp.all(pix >= 0, axis=0) & (pix[0] <= GRID_Y - 1) & (pix[1] <= GRID_X - 1)
    py = jnp.clip(pix[0], 0, GRID_Y - 1)
    px = jnp.clip(pix[1], 0, GRID_X - 1)
    clustered = jnp.zeros((GRID_Y, GRID_X), jnp.float32).at[py, px].add(valid.astype(jnp.float32))
    sm = _smooth2d(clustered, w, b) * 9.0
    return sm >= min_cluster_points


def setup_inputs(seed: int = 0) -> dict:
    key = jax.random.key(seed)
    k1, k2 = jax.random.split(key)
    prediction = jax.random.normal(k1, (2 + N_SIGMA + 1, GRID_Y, GRID_X), dtype=jnp.float32)
    smooth_w = jnp.ones((3, 3), jnp.float32) / 9.0
    # Conv2d bias keeps its default init (U(-1/sqrt(9), 1/sqrt(9))) since only weight.data is overwritten
    smooth_b = jax.random.uniform(k2, (1,), minval=-1.0 / 3.0, maxval=1.0 / 3.0, dtype=jnp.float32)
    return {"prediction": prediction, "smooth_w": smooth_w, "smooth_b": smooth_b}


def reference(prediction, smooth_w, smooth_b):
    height, width = prediction.shape[1], prediction.shape[2]
    yxm = _make_yxm()
    yxm_s = yxm[:, 0:height, 0:width]
    b = smooth_b[0]
    sigma = jnp.exp(jax.nn.sigmoid(prediction[2:2 + N_SIGMA]) * 10.0)
    seed_map = jax.nn.sigmoid(prediction[2 + N_SIGMA:2 + N_SIGMA + 1])
    spatial_emb = jnp.tanh(prediction[0:2]) + yxm_s
    sigma = jnp.stack([_smooth2d(sigma[c], smooth_w, b) for c in range(N_SIGMA)], 0)
    mask = (seed_map > 0.5)[0]
    seeds = _find_seeds(spatial_emb, mask, 9 * 0.5, smooth_w, b)
    seeds = jnp.broadcast_to(seeds[None, :, :], seed_map.shape)
    seeds = seeds & (seed_map > 0.1)
    seeds_sq = seeds[0]
    seed_map2d = seed_map[0]
    inst0 = jnp.zeros((height, width), jnp.int16)
    dist_map0 = jnp.zeros((height, width), jnp.float32)
    uncl0 = seeds_sq
    count0 = jnp.int16(1)

    # greedy NMS-style clustering loop (data-dependent; identical math to the torch while-loop)
    def _cond(state):
        _, _, uncl, _ = state
        return jnp.sum(uncl) > 0

    def _body(state):
        inst, dist_map, uncl, count = state
        score = seed_map2d * uncl.astype(jnp.float32)
        seed_index = jnp.argmax(score)
        y = seed_index // width
        x = seed_index % width
        center = spatial_emb[:, y, x].reshape(-1, 1, 1)
        s = sigma[:, y, x].reshape(-1, 1, 1)
        dist = jnp.exp(-1.0 * jnp.sum(jnp.power(spatial_emb - center, 2) * s, 0))
        proposal = (dist > dist_map) & (dist > 0.5) & mask
        psum = jnp.sum(proposal)
        colliding = jnp.sum((inst > 0) & (dist > 0.5))
        # psum>0 guard is equivalent to torch semantics (0/0 -> nan -> False)
        ok = (psum > 0) & (2 * colliding < psum) & (psum >= MIN_OBJ_SIZE)
        inst = jnp.where(ok & proposal, count, inst)
        count = count + ok.astype(jnp.int16)
        uncl = jnp.where(ok, uncl & ~proposal, uncl)
        dist_map = jnp.where(proposal, dist, dist_map)
        uncl = uncl.reshape(-1).at[seed_index].set(False).reshape(height, width)
        return (inst, dist_map, uncl, count)

    inst, _, _, _ = lax.while_loop(_cond, _body, (inst0, dist_map0, uncl0, count0))
    return jnp.asarray(inst)

if __name__ == "__main__":
    import jax
    _d = setup_inputs()
    print(jax.jit(kernel)(*tuple(_d.values())))

</pallas_src>

<mosaic_0001>
#map = affine_map<(d0, d1) -> (0)>
#map1 = affine_map<(d0, d1) -> (0, 0)>
module attributes {stable_mosaic.version = 14 : i64} {
  func.func @_hist_sc(%arg0: i32, %arg1: i32, %arg2: memref<65536xi32, #tpu.memory_space<hbm>>, %arg3: memref<1x65536xf32, #tpu.memory_space<hbm>>, %arg4: memref<4096xi32, #tpu.memory_space<vmem>>, %arg5: memref<4096xf32, #tpu.memory_space<vmem>>, %arg6: memref<4224xf32, #tpu.memory_space<vmem>>, %arg7: memref<67584xf32, #tpu.memory_space<vmem_shared>>, %arg8: memref<!tpu.dma_semaphore, #tpu.memory_space<semaphore_mem>>) attributes {dimension_semantics = [#tpu.dimension_semantics<core_parallel>, #tpu.dimension_semantics<subcore_parallel>], iteration_bounds = array<i64: 1, 16>, scalar_prefetch = 0 : i64, scratch_operands = 5 : i64, tpu.core_type = #tpu.core_type<sc_vector_subcore>, window_params = [{transform_indices = #map}, {transform_indices = #map1}]} {
    %mul3A = arith.constant 4096 : i32
    %mul3A_0 = arith.muli %arg1, %mul3A : i32
    %dma_start3A = tpu.memref_slice %arg2[%mul3A_0] : memref<65536xi32, #tpu.memory_space<hbm>> -> memref<4096xi32, #tpu.memory_space<hbm>>
    %dma_start3A_1 = tpu.memref_slice %arg2[%mul3A_0] : memref<65536xi32, #tpu.memory_space<hbm>> -> memref<4096xi32, #tpu.memory_space<hbm>>
    tpu.enqueue_dma source(%dma_start3A_1 : memref<4096xi32, #tpu.memory_space<hbm>>) target(%arg4 : memref<4096xi32, #tpu.memory_space<vmem>>) target_semaphore(%arg8 : memref<!tpu.dma_semaphore, #tpu.memory_space<semaphore_mem>>)
    %scan3A = arith.constant 0 : i32
    %scan3A_2 = arith.constant 0 : i32
    %scan3A_3 = arith.constant 33 : i32
    %scan3A_4 = arith.addi %scan3A_2, %scan3A_3 : i32
    %scan3A_5 = arith.constant 1 : i32
    scf.for %scan3A_21 = %scan3A_2 to %scan3A_4 step %scan3A_5  : i32 {
      %broadcast_in_dim3A = arith.constant 0.000000e+00 : f32
      %broadcast_in_dim3A_22 = vector.broadcast %broadcast_in_dim3A : f32 to vector<16xf32>
      %mul3A_23 = arith.constant 128 : i32
      %mul3A_24 = arith.muli %scan3A_21, %mul3A_23 : i32
      %add3A = arith.constant 0 : i32
      %add3A_25 = arith.addi %mul3A_24, %add3A : i32
      %swap3A = arith.index_cast %add3A_25 : i32 to index
      %swap3A_26 = tpu.vector_load %arg6[%swap3A] {strides = array<i32>} : memref<4224xf32, #tpu.memory_space<vmem>>, vector<16xf32>,
      %swap3A_27 = vector.shape_cast %swap3A_26 : vector<16xf32> to vector<16xf32>
      %swap3A_28 = vector.shape_cast %broadcast_in_dim3A_22 : vector<16xf32> to vector<16xf32>
      tpu.vector_store %arg6[%swap3A], %swap3A_28 {strides = array<i32>} : memref<4224xf32, #tpu.memory_space<vmem>>, vector<16xf32>,
      %broadcast_in_dim3A_29 = arith.constant 0.000000e+00 : f32
      %broadcast_in_dim3A_30 = vector.broadcast %broadcast_in_dim3A_29 : f32 to vector<16xf32>
      %mul3A_31 = arith.constant 128 : i32
      %mul3A_32 = arith.muli %scan3A_21, %mul3A_31 : i32
      %add3A_33 = arith.constant 16 : i32
      %add3A_34 = arith.addi %mul3A_32, %add3A_33 : i32
      %swap3A_35 = arith.index_cast %add3A_34 : i32 to index
      %swap3A_36 = tpu.vector_load %arg6[%swap3A_35] {strides = array<i32>} : memref<4224xf32, #tpu.memory_space<vmem>>, vector<16xf32>,
      %swap3A_37 = vector.shape_cast %swap3A_36 : vector<16xf32> to vector<16xf32>
      %swap3A_38 = vector.shape_cast %broadcast_in_dim3A_30 : vector<16xf32> to vector<16xf32>
      tpu.vector_store %arg6[%swap3A_35], %swap3A_38 {strides = array<i32>} : memref<4224xf32, #tpu.memory_space<vmem>>, vector<16xf32>,
      %broadcast_in_dim3A_39 = arith.constant 0.000000e+00 : f32
      %broadcast_in_dim3A_40 = vector.broadcast %broadcast_in_dim3A_39 : f32 to vector<16xf32>
      %mul3A_41 = arith.constant 128 : i32
      %mul3A_42 = arith.muli %scan3A_21, %mul3A_41 : i32
      %add3A_43 = arith.constant 32 : i32
      %add3A_44 = arith.addi %mul3A_42, %add3A_43 : i32
      %swap3A_45 = arith.index_cast %add3A_44 : i32 to index
      %swap3A_46 = tpu.vector_load %arg6[%swap3A_45] {strides = array<i32>} : memref<4224xf32, #tpu.memory_space<vmem>>, vector<16xf32>,
      %swap3A_47 = vector.shape_cast %swap3A_46 : vector<16xf32> to vector<16xf32>
      %swap3A_48 = vector.shape_cast %broadcast_in_dim3A_40 : vector<16xf32> to vector<16xf32>
      tpu.vector_store %arg6[%swap3A_45], %swap3A_48 {strides = array<i32>} : memref<4224xf32, #tpu.memory_space<vmem>>, vector<16xf32>,
      %broadcast_in_dim3A_49 = arith.constant 0.000000e+00 : f32
      %broadcast_in_dim3A_50 = vector.broadcast %broadcast_in_dim3A_49 : f32 to vector<16xf32>
      %mul3A_51 = arith.constant 128 : i32
      %mul3A_52 = arith.muli %scan3A_21, %mul3A_51 : i32
      %add3A_53 = arith.constant 48 : i32
      %add3A_54 = arith.addi %mul3A_52, %add3A_53 : i32
      %swap3A_55 = arith.index_cast %add3A_54 : i32 to index
      %swap3A_56 = tpu.vector_load %arg6[%swap3A_55] {strides = array<i32>} : memref<4224xf32, #tpu.memory_space<vmem>>, vector<16xf32>,
      %swap3A_57 = vector.shape_cast %swap3A_56 : vector<16xf32> to vector<16xf32>
      %swap3A_58 = vector.shape_cast %broadcast_in_dim3A_50 : vector<16xf32> to vector<16xf32>
      tpu.vector_store %arg6[%swap3A_55], %swap3A_58 {strides = array<i32>} : memref<4224xf32, #tpu.memory_space<vmem>>, vector<16xf32>,
      %broadcast_in_dim3A_59 = arith.constant 0.000000e+00 : f32
      %broadcast_in_dim3A_60 = vector.broadcast %broadcast_in_dim3A_59 : f32 to vector<16xf32>
      %mul3A_61 = arith.constant 128 : i32
      %mul3A_62 = arith.muli %scan3A_21, %mul3A_61 : i32
      %add3A_63 = arith.constant 64 : i32
      %add3A_64 = arith.addi %mul3A_62, %add3A_63 : i32
      %swap3A_65 = arith.index_cast %add3A_64 : i32 to index
      %swap3A_66 = tpu.vector_load %arg6[%swap3A_65] {strides = array<i32>} : memref<4224xf32, #tpu.memory_space<vmem>>, vector<16xf32>,
      %swap3A_67 = vector.shape_cast %swap3A_66 : vector<16xf32> to vector<16xf32>
      %swap3A_68 = vector.shape_cast %broadcast_in_dim3A_60 : vector<16xf32> to vector<16xf32>
      tpu.vector_store %arg6[%swap3A_65], %swap3A_68 {strides = array<i32>} : memref<4224xf32, #tpu.memory_space<vmem>>, vector<16xf32>,
      %broadcast_in_dim3A_69 = arith.constant 0.000000e+00 : f32
      %broadcast_in_dim3A_70 = vector.broadcast %broadcast_in_dim3A_69 : f32 to vector<16xf32>
      %mul3A_71 = arith.constant 128 : i32
      %mul3A_72 = arith.muli %scan3A_21, %mul3A_71 : i32
      %add3A_73 = arith.constant 80 : i32
      %add3A_74 = arith.addi %mul3A_72, %add3A_73 : i32
      %swap3A_75 = arith.index_cast %add3A_74 : i32 to index
      %swap3A_76 = tpu.vector_load %arg6[%swap3A_75] {strides = array<i32>} : memref<4224xf32, #tpu.memory_space<vmem>>, vector<16xf32>,
      %swap3A_77 = vector.shape_cast %swap3A_76 : vector<16xf32> to vector<16xf32>
      %swap3A_78 = vector.shape_cast %broadcast_in_dim3A_70 : vector<16xf32> to vector<16xf32>
      tpu.vector_store %arg6[%swap3A_75], %swap3A_78 {strides = array<i32>} : memref<4224xf32, #tpu.memory_space<vmem>>, vector<16xf32>,
      %broadcast_in_dim3A_79 = arith.constant 0.000000e+00 : f32
      %broadcast_in_dim3A_80 = vector.broadcast %broadcast_in_dim3A_79 : f32 to vector<16xf32>
      %mul3A_81 = arith.constant 128 : i32
      %mul3A_82 = arith.muli %scan3A_21, %mul3A_81 : i32
      %add3A_83 = arith.constant 96 : i32
      %add3A_84 = arith.addi %mul3A_82, %add3A_83 : i32
      %swap3A_85 = arith.index_cast %add3A_84 : i32 to index
      %swap3A_86 = tpu.vector_load %arg6[%swap3A_85] {strides = array<i32>} : memref<4224xf32, #tpu.memory_space<vmem>>, vector<16xf32>,
      %swap3A_87 = vector.shape_cast %swap3A_86 : vector<16xf32> to vector<16xf32>
      %swap3A_88 = vector.shape_cast %broadcast_in_dim3A_80 : vector<16xf32> to vector<16xf32>
      tpu.vector_store %arg6[%swap3A_85], %swap3A_88 {strides = array<i32>} : memref<4224xf32, #tpu.memory_space<vmem>>, vector<16xf32>,
      %broadcast_in_dim3A_89 = arith.constant 0.000000e+00 : f32
      %broadcast_in_dim3A_90 = vector.broadcast %broadcast_in_dim3A_89 : f32 to vector<16xf32>
      %mul3A_91 = arith.constant 128 : i32
      %mul3A_92 = arith.muli %scan3A_21, %mul3A_91 : i32
      %add3A_93 = arith.constant 112 : i32
      %add3A_94 = arith.addi %mul3A_92, %add3A_93 : i32
      %swap3A_95 = arith.index_cast %add3A_94 : i32 to index
      %swap3A_96 = tpu.vector_load %arg6[%swap3A_95] {strides = array<i32>} : memref<4224xf32, #tpu.memory_space<vmem>>, vector<16xf32>,
      %swap3A_97 = vector.shape_cast %swap3A_96 : vector<16xf32> to vector<16xf32>
      %swap3A_98 = vector.shape_cast %broadcast_in_dim3A_90 : vector<16xf32> to vector<16xf32>
      tpu.vector_store %arg6[%swap3A_95], %swap3A_98 {strides = array<i32>} : memref<4224xf32, #tpu.memory_space<vmem>>, vector<16xf32>,
    }
    %scan3A_6 = arith.constant 33 : i32
    %scan3A_7 = arith.constant 0 : i32
    %scan3A_8 = arith.constant 0 : i32
    %scan3A_9 = arith.constant 32 : i32
    %scan3A_10 = arith.addi %scan3A_8, %scan3A_9 : i32
    %scan3A_11 = arith.constant 1 : i32
    scf.for %scan3A_21 = %scan3A_8 to %scan3A_10 step %scan3A_11  : i32 {
      %broadcast_in_dim3A = arith.constant 1.000000e+00 : f32
      %broadcast_in_dim3A_22 = vector.broadcast %broadcast_in_dim3A : f32 to vector<16xf32>
      %mul3A_23 = arith.constant 128 : i32
      %mul3A_24 = arith.muli %scan3A_21, %mul3A_23 : i32
      %add3A = arith.constant 0 : i32
      %add3A_25 = arith.addi %mul3A_24, %add3A : i32
      %swap3A = arith.index_cast %add3A_25 : i32 to index
      %swap3A_26 = tpu.vector_load %arg5[%swap3A] {strides = array<i32>} : memref<4096xf32, #tpu.memory_space<vmem>>, vector<16xf32>,
      %swap3A_27 = vector.shape_cast %swap3A_26 : vector<16xf32> to vector<16xf32>
      %swap3A_28 = vector.shape_cast %broadcast_in_dim3A_22 : vector<16xf32> to vector<16xf32>
      tpu.vector_store %arg5[%swap3A], %swap3A_28 {strides = array<i32>} : memref<4096xf32, #tpu.memory_space<vmem>>, vector<16xf32>,
      %broadcast_in_dim3A_29 = arith.constant 1.000000e+00 : f32
      %broadcast_in_dim3A_30 = vector.broadcast %broadcast_in_dim3A_29 : f32 to vector<16xf32>
      %mul3A_31 = arith.constant 128 : i32
      %mul3A_32 = arith.muli %scan3A_21, %mul3A_31 : i32
      %add3A_33 = arith.constant 16 : i32
      %add3A_34 = arith.addi %mul3A_32, %add3A_33 : i32
      %swap3A_35 = arith.index_cast %add3A_34 : i32 to index
      %swap3A_36 = tpu.vector_load %arg5[%swap3A_35] {strides = array<i32>} : memref<4096xf32, #tpu.memory_space<vmem>>, vector<16xf32>,
      %swap3A_37 = vector.shape_cast %swap3A_36 : vector<16xf32> to vector<16xf32>
      %swap3A_38 = vector.shape_cast %broadcast_in_dim3A_30 : vector<16xf32> to vector<16xf32>
      tpu.vector_store %arg5[%swap3A_35], %swap3A_38 {strides = array<i32>} : memref<4096xf32, #tpu.memory_space<vmem>>, vector<16xf32>,
      %broadcast_in_dim3A_39 = arith.constant 1.000000e+00 : f32
      %broadcast_in_dim3A_40 = vector.broadcast %broadcast_in_dim3A_39 : f32 to vector<16xf32>
      %mul3A_41 = arith.constant 128 : i32
      %mul3A_42 = arith.muli %scan3A_21, %mul3A_41 : i32
      %add3A_43 = arith.constant 32 : i32
      %add3A_44 = arith.addi %mul3A_42, %add3A_43 : i32
      %swap3A_45 = arith.index_cast %add3A_44 : i32 to index
      %swap3A_46 = tpu.vector_load %arg5[%swap3A_45] {strides = array<i32>} : memref<4096xf32, #tpu.memory_space<vmem>>, vector<16xf32>,
      %swap3A_47 = vector.shape_cast %swap3A_46 : vector<16xf32> to vector<16xf32>
      %swap3A_48 = vector.shape_cast %broadcast_in_dim3A_40 : vector<16xf32> to vector<16xf32>
      tpu.vector_store %arg5[%swap3A_45], %swap3A_48 {strides = array<i32>} : memref<4096xf32, #tpu.memory_space<vmem>>, vector<16xf32>,
      %broadcast_in_dim3A_49 = arith.constant 1.000000e+00 : f32
      %broadcast_in_dim3A_50 = vector.broadcast %broadcast_in_dim3A_49 : f32 to vector<16xf32>
      %mul3A_51 = arith.constant 128 : i32
      %mul3A_52 = arith.muli %scan3A_21, %mul3A_51 : i32
      %add3A_53 = arith.constant 48 : i32
      %add3A_54 = arith.addi %mul3A_52, %add3A_53 : i32
      %swap3A_55 = arith.index_cast %add3A_54 : i32 to index
      %swap3A_56 = tpu.vector_load %arg5[%swap3A_55] {strides = array<i32>} : memref<4096xf32, #tpu.memory_space<vmem>>, vector<16xf32>,
      %swap3A_57 = vector.shape_cast %swap3A_56 : vector<16xf32> to vector<16xf32>
      %swap3A_58 = vector.shape_cast %broadcast_in_dim3A_50 : vector<16xf32> to vector<16xf32>
      tpu.vector_store %arg5[%swap3A_55], %swap3A_58 {strides = array<i32>} : memref<4096xf32, #tpu.memory_space<vmem>>, vector<16xf32>,
      %broadcast_in_dim3A_59 = arith.constant 1.000000e+00 : f32
      %broadcast_in_dim3A_60 = vector.broadcast %broadcast_in_dim3A_59 : f32 to vector<16xf32>
      %mul3A_61 = arith.constant 128 : i32
      %mul3A_62 = arith.muli %scan3A_21, %mul3A_61 : i32
      %add3A_63 = arith.constant 64 : i32
      %add3A_64 = arith.addi %mul3A_62, %add3A_63 : i32
      %swap3A_65 = arith.index_cast %add3A_64 : i32 to index
      %swap3A_66 = tpu.vector_load %arg5[%swap3A_65] {strides = array<i32>} : memref<4096xf32, #tpu.memory_space<vmem>>, vector<16xf32>,
      %swap3A_67 = vector.shape_cast %swap3A_66 : vector<16xf32> to vector<16xf32>
      %swap3A_68 = vector.shape_cast %broadcast_in_dim3A_60 : vector<16xf32> to vector<16xf32>
      tpu.vector_store %arg5[%swap3A_65], %swap3A_68 {strides = array<i32>} : memref<4096xf32, #tpu.memory_space<vmem>>, vector<16xf32>,
      %broadcast_in_dim3A_69 = arith.constant 1.000000e+00 : f32
      %broadcast_in_dim3A_70 = vector.broadcast %broadcast_in_dim3A_69 : f32 to vector<16xf32>
      %mul3A_71 = arith.constant 128 : i32
      %mul3A_72 = arith.muli %scan3A_21, %mul3A_71 : i32
      %add3A_73 = arith.constant 80 : i32
      %add3A_74 = arith.addi %mul3A_72, %add3A_73 : i32
      %swap3A_75 = arith.index_cast %add3A_74 : i32 to index
      %swap3A_76 = tpu.vector_load %arg5[%swap3A_75] {strides = array<i32>} : memref<4096xf32, #tpu.memory_space<vmem>>, vector<16xf32>,
      %swap3A_77 = vector.shape_cast %swap3A_76 : vector<16xf32> to vector<16xf32>
      %swap3A_78 = vector.shape_cast %broadcast_in_dim3A_70 : vector<16xf32> to vector<16xf32>
      tpu.vector_store %arg5[%swap3A_75], %swap3A_78 {strides = array<i32>} : memref<4096xf32, #tpu.memory_space<vmem>>, vector<16xf32>,
      %broadcast_in_dim3A_79 = arith.constant 1.000000e+00 : f32
      %broadcast_in_dim3A_80 = vector.broadcast %broadcast_in_dim3A_79 : f32 to vector<16xf32>
      %mul3A_81 = arith.constant 128 : i32
      %mul3A_82 = arith.muli %scan3A_21, %mul3A_81 : i32
      %add3A_83 = arith.constant 96 : i32
      %add3A_84 = arith.addi %mul3A_82, %add3A_83 : i32
      %swap3A_85 = arith.index_cast %add3A_84 : i32 to index
      %swap3A_86 = tpu.vector_load %arg5[%swap3A_85] {strides = array<i32>} : memref<4096xf32, #tpu.memory_space<vmem>>, vector<16xf32>,
      %swap3A_87 = vector.shape_cast %swap3A_86 : vector<16xf32> to vector<16xf32>
      %swap3A_88 = vector.shape_cast %broadcast_in_dim3A_80 : vector<16xf32> to vector<16xf32>
      tpu.vector_store %arg5[%swap3A_85], %swap3A_88 {strides = array<i32>} : memref<4096xf32, #tpu.memory_space<vmem>>, vector<16xf32>,
      %broadcast_in_dim3A_89 = arith.constant 1.000000e+00 : f32
      %broadcast_in_dim3A_90 = vector.broadcast %broadcast_in_dim3A_89 : f32 to vector<16xf32>
      %mul3A_91 = arith.constant 128 : i32
      %mul3A_92 = arith.muli %scan3A_21, %mul3A_91 : i32
      %add3A_93 = arith.constant 112 : i32
      %add3A_94 = arith.addi %mul3A_92, %add3A_93 : i32
      %swap3A_95 = arith.index_cast %add3A_94 : i32 to index
      %swap3A_96 = tpu.vector_load %arg5[%swap3A_95] {strides = array<i32>} : memref<4096xf32, #tpu.memory_space<vmem>>, vector<16xf32>,
      %swap3A_97 = vector.shape_cast %swap3A_96 : vector<16xf32> to vector<16xf32>
      %swap3A_98 = vector.shape_cast %broadcast_in_dim3A_90 : vector<16xf32> to vector<16xf32>
      tpu.vector_store %arg5[%swap3A_95], %swap3A_98 {strides = array<i32>} : memref<4096xf32, #tpu.memory_space<vmem>>, vector<16xf32>,
    }
    %scan3A_12 = arith.constant 32 : i32
    %mul3A_13 = arith.constant 4224 : i32
    %mul3A_14 = arith.muli %arg1, %mul3A_13 : i32
    "tpu.region"() ({
      %run_scoped3A = tpu.sem_alloc : memref<!tpu.dma_semaphore, #tpu.memory_space<semaphore_mem>>
      %dma_start3A_21 = tpu.memref_slice %arg7[%mul3A_14] : memref<67584xf32, #tpu.memory_space<vmem_shared>> -> memref<4224xf32, #tpu.memory_space<vmem_shared>>
      %dma_start3A_22 = tpu.memref_slice %arg7[%mul3A_14] : memref<67584xf32, #tpu.memory_space<vmem_shared>> -> memref<4224xf32, #tpu.memory_space<vmem_shared>>
      tpu.enqueue_dma source(%arg6 : memref<4224xf32, #tpu.memory_space<vmem>>) target(%dma_start3A_22 : memref<4224xf32, #tpu.memory_space<vmem_shared>>) target_semaphore(%run_scoped3A : memref<!tpu.dma_semaphore, #tpu.memory_space<semaphore_mem>>)
      %dma_wait3A_23 = tpu.memref_slice %arg7[%mul3A_14] : memref<67584xf32, #tpu.memory_space<vmem_shared>> -> memref<4224xf32, #tpu.memory_space<vmem_shared>>
      %dma_wait3A_24 = tpu.memref_slice %arg7[%mul3A_14] : memref<67584xf32, #tpu.memory_space<vmem_shared>> -> memref<4224xf32, #tpu.memory_space<vmem_shared>>
      tpu.wait_dma2 semaphore(%run_scoped3A : memref<!tpu.dma_semaphore, #tpu.memory_space<semaphore_mem>>) src(%arg6 : memref<4224xf32, #tpu.memory_space<vmem>>) dst(%dma_wait3A_24 : memref<4224xf32, #tpu.memory_space<vmem_shared>>)
      tpu.yield
    }) : () -> ()
    %dma_wait3A = tpu.memref_slice %arg2[%mul3A_0] : memref<65536xi32, #tpu.memory_space<hbm>> -> memref<4096xi32, #tpu.memory_space<hbm>>
    %dma_wait3A_15 = tpu.memref_slice %arg2[%mul3A_0] : memref<65536xi32, #tpu.memory_space<hbm>> -> memref<4096xi32, #tpu.memory_space<hbm>>
    tpu.wait_dma2 semaphore(%arg8 : memref<!tpu.dma_semaphore, #tpu.memory_space<semaphore_mem>>) src(%dma_wait3A_15 : memref<4096xi32, #tpu.memory_space<hbm>>) dst(%arg4 : memref<4096xi32, #tpu.memory_space<vmem>>)
    %barrier3A = arith.constant 0 : index
    tpu.barrier barrier_id(%barrier3A)
    "tpu.region"() ({
      %run_scoped3A = tpu.sem_alloc : memref<!tpu.dma_semaphore, #tpu.memory_space<semaphore_mem>>
      %dma_start3A_21 = arith.constant 0 : i32
      %dma_start3A_22 = tpu.memref_slice %arg7[%dma_start3A_21] : memref<67584xf32, #tpu.memory_space<vmem_shared>> -> memref<67584xf32, #tpu.memory_space<vmem_shared>>
      tpu.enqueue_indirect_dma source(%arg5 : memref<4096xf32, #tpu.memory_space<vmem>>) target(%dma_start3A_22 : memref<67584xf32, #tpu.memory_space<vmem_shared>>) offsets(%arg4 : memref<4096xi32, #tpu.memory_space<vmem>>) semaphore(%run_scoped3A : memref<!tpu.dma_semaphore, #tpu.memory_space<semaphore_mem>>) {add = true}
      %dma_wait3A_23 = arith.constant 0 : i32
      %dma_wait3A_24 = tpu.memref_slice %arg7[%dma_wait3A_23] : memref<67584xf32, #tpu.memory_space<vmem_shared>> -> memref<67584xf32, #tpu.memory_space<vmem_shared>>
      tpu.wait_indirect_dma semaphore(%run_scoped3A : memref<!tpu.dma_semaphore, #tpu.memory_space<semaphore_mem>>) src(%arg5 : memref<4096xf32, #tpu.memory_space<vmem>>) dst(%dma_wait3A_24 : memref<67584xf32, #tpu.memory_space<vmem_shared>>)
      tpu.yield
    }) : () -> ()
    %barrier3A_16 = arith.constant 0 : index
    tpu.barrier barrier_id(%barrier3A_16)
    %mul3A_17 = arith.constant 4096 : i32
    %mul3A_18 = arith.muli %arg1, %mul3A_17 : i32
    %mul3A_19 = arith.constant 4096 : i32
    %mul3A_20 = arith.muli %arg1, %mul3A_19 : i32
    "tpu.region"() ({
      %run_scoped3A = tpu.sem_alloc : memref<!tpu.dma_semaphore, #tpu.memory_space<semaphore_mem>>
      %dma_start3A_21 = tpu.memref_slice %arg3[%arg0, %mul3A_20] : memref<1x65536xf32, #tpu.memory_space<hbm>> -> memref<1x4096xf32, #tpu.memory_space<hbm>>
      %dma_start3A_22 = tpu.memref_squeeze %dma_start3A_21 : memref<1x4096xf32, #tpu.memory_space<hbm>> -> memref<4096xf32, #tpu.memory_space<hbm>>
      %dma_start3A_23 = tpu.memref_slice %arg7[%mul3A_18] : memref<67584xf32, #tpu.memory_space<vmem_shared>> -> memref<4096xf32, #tpu.memory_space<vmem_shared>>
      tpu.enqueue_dma source(%dma_start3A_23 : memref<4096xf32, #tpu.memory_space<vmem_shared>>) target(%dma_start3A_22 : memref<4096xf32, #tpu.memory_space<hbm>>) target_semaphore(%run_scoped3A : memref<!tpu.dma_semaphore, #tpu.memory_space<semaphore_mem>>)
      %dma_wait3A_24 = tpu.memref_slice %arg3[%arg0, %mul3A_20] : memref<1x65536xf32, #tpu.memory_space<hbm>> -> memref<1x4096xf32, #tpu.memory_space<hbm>>
      %dma_wait3A_25 = tpu.memref_squeeze %dma_wait3A_24 : memref<1x4096xf32, #tpu.memory_space<hbm>> -> memref<4096xf32, #tpu.memory_space<hbm>>
      %dma_wait3A_26 = tpu.memref_slice %arg7[%mul3A_18] : memref<67584xf32, #tpu.memory_space<vmem_shared>> -> memref<4096xf32, #tpu.memory_space<vmem_shared>>
      tpu.wait_dma2 semaphore(%run_scoped3A : memref<!tpu.dma_semaphore, #tpu.memory_space<semaphore_mem>>) src(%dma_wait3A_26 : memref<4096xf32, #tpu.memory_space<vmem_shared>>) dst(%dma_wait3A_25 : memref<4096xf32, #tpu.memory_space<hbm>>)
      tpu.yield
    }) : () -> ()
    return
  }
}

module attributes {stable_mosaic.version = 14 : i64} {
  func.func @_prep_body(%arg0: memref<5x256x256xf32, #tpu.memory_space<vmem>>, %arg1: memref<65536xi32, #tpu.memory_space<vmem>>) attributes {dimension_semantics = [], scalar_prefetch = 0 : i64, scratch_operands = 0 : i64, tpu.core_type = #tpu.core_type<tc>} {
    %iota3A = tpu.iota {dimensions = array<i32: 0>} : vector<256x256xi32>
    %convert_element_type3A = arith.sitofp %iota3A : vector<256x256xi32> to vector<256x256xf32>
    %iota3A_0 = tpu.iota {dimensions = array<i32: 1>} : vector<256x256xi32>
    %convert_element_type3A_1 = arith.sitofp %iota3A_0 : vector<256x256xi32> to vector<256x256xf32>
    %get3A = arith.constant 0 : index
    %get3A_2 = arith.constant 0 : index
    %get3A_3 = arith.constant 0 : index
    %get3A_4 = vector.load %arg0[%get3A, %get3A_2, %get3A_3] : memref<5x256x256xf32, #tpu.memory_space<vmem>>, vector<1x256x256xf32>
    %get3A_5 = vector.shape_cast %get3A_4 : vector<1x256x256xf32> to vector<256x256xf32>
    %tanh3A = math.tanh %get3A_5 : vector<256x256xf32>
    %mul3A = arith.constant 0.00392156886 : f32
    %mul3A_6 = vector.broadcast %mul3A : f32 to vector<256x256xf32>
    %mul3A_7 = arith.mulf %convert_element_type3A, %mul3A_6 : vector<256x256xf32>
    %add3A = arith.addf %tanh3A, %mul3A_7 : vector<256x256xf32>
    %get3A_8 = arith.constant 1 : index
    %get3A_9 = arith.constant 0 : index
    %get3A_10 = arith.constant 0 : index
    %get3A_11 = vector.load %arg0[%get3A_8, %get3A_9, %get3A_10] : memref<5x256x256xf32, #tpu.memory_space<vmem>>, vector<1x256x256xf32>
    %get3A_12 = vector.shape_cast %get3A_11 : vector<1x256x256xf32> to vector<256x256xf32>
    %tanh3A_13 = math.tanh %get3A_12 : vector<256x256xf32>
    %mul3A_14 = arith.constant 0.00392156886 : f32
    %mul3A_15 = vector.broadcast %mul3A_14 : f32 to vector<256x256xf32>
    %mul3A_16 = arith.mulf %convert_element_type3A_1, %mul3A_15 : vector<256x256xf32>
    %add3A_17 = arith.addf %tanh3A_13, %mul3A_16 : vector<256x256xf32>
    %get3A_18 = arith.constant 4 : index
    %get3A_19 = arith.constant 0 : index
    %get3A_20 = arith.constant 0 : index
    %get3A_21 = vector.load %arg0[%get3A_18, %get3A_19, %get3A_20] : memref<5x256x256xf32, #tpu.memory_space<vmem>>, vector<1x256x256xf32>
    %get3A_22 = vector.shape_cast %get3A_21 : vector<1x256x256xf32> to vector<256x256xf32>
    %logistic3A = arith.negf %get3A_22 : vector<256x256xf32>
    %logistic3A_23 = math.exp %logistic3A : vector<256x256xf32>
    %logistic3A_24 = arith.constant 1.000000e+00 : f32
    %logistic3A_25 = vector.broadcast %logistic3A_24 : f32 to vector<256x256xf32>
    %logistic3A_26 = arith.addf %logistic3A_25, %logistic3A_23 : vector<256x256xf32>
    %logistic3A_27 = arith.divf %logistic3A_25, %logistic3A_26 : vector<256x256xf32>
    %mul3A_28 = arith.constant 2.550000e+02 : f32
    %mul3A_29 = vector.broadcast %mul3A_28 : f32 to vector<256x256xf32>
    %mul3A_30 = arith.mulf %add3A, %mul3A_29 : vector<256x256xf32>
    %div3A = arith.constant 1.000000e+00 : f32
    %div3A_31 = vector.broadcast %div3A : f32 to vector<256x256xf32>
    %div3A_32 = arith.divf %mul3A_30, %div3A_31 : vector<256x256xf32>
    %round3A = math.roundeven %div3A_32 : vector<256x256xf32>
    %convert_element_type3A_33 = arith.fptosi %round3A : vector<256x256xf32> to vector<256x256xi32>
    %mul3A_34 = arith.constant 2.550000e+02 : f32
    %mul3A_35 = vector.broadcast %mul3A_34 : f32 to vector<256x256xf32>
    %mul3A_36 = arith.mulf %add3A_17, %mul3A_35 : vector<256x256xf32>
    %div3A_37 = arith.constant 1.000000e+00 : f32
    %div3A_38 = vector.broadcast %div3A_37 : f32 to vector<256x256xf32>
    %div3A_39 = arith.divf %mul3A_36, %div3A_38 : vector<256x256xf32>
    %round3A_40 = math.roundeven %div3A_39 : vector<256x256xf32>
    %convert_element_type3A_41 = arith.fptosi %round3A_40 : vector<256x256xf32> to vector<256x256xi32>
    %gt3A = arith.constant 5.000000e-01 : f32
    %gt3A_42 = vector.broadcast %gt3A : f32 to vector<256x256xf32>
    %gt3A_43 = arith.cmpf ogt, %logistic3A_27, %gt3A_42 : vector<256x256xf32>
    %ge3A = arith.constant 0 : i32
    %ge3A_44 = vector.broadcast %ge3A : i32 to vector<256x256xi32>
    %ge3A_45 = arith.cmpi sge, %convert_element_type3A_33, %ge3A_44 : vector<256x256xi32>
    %and3A = arith.andi %gt3A_43, %ge3A_45 : vector<256x256xi1>
    %ge3A_46 = arith.constant 0 : i32
    %ge3A_47 = vector.broadcast %ge3A_46 : i32 to vector<256x256xi32>
    %ge3A_48 = arith.cmpi sge, %convert_element_type3A_41, %ge3A_47 : vector<256x256xi32>
    %and3A_49 = arith.andi %and3A, %ge3A_48 : vector<256x256xi1>
    %le3A = arith.constant 255 : i32
    %le3A_50 = vector.broadcast %le3A : i32 to vector<256x256xi32>
    %le3A_51 = arith.cmpi sle, %convert_element_type3A_33, %le3A_50 : vector<256x256xi32>
    %and3A_52 = arith.andi %and3A_49, %le3A_51 : vector<256x256xi1>
    %le3A_53 = arith.constant 255 : i32
    %le3A_54 = vector.broadcast %le3A_53 : i32 to vector<256x256xi32>
    %le3A_55 = arith.cmpi sle, %convert_element_type3A_41, %le3A_54 : vector<256x256xi32>
    %and3A_56 = arith.andi %and3A_52, %le3A_55 : vector<256x256xi1>
    %jit3A = arith.constant 0 : i32
    %jit3A_57 = arith.constant 255 : i32
    %max3A = vector.broadcast %jit3A : i32 to vector<256x256xi32>
    %max3A_58 = arith.maxsi %max3A, %convert_element_type3A_33 : vector<256x256xi32>
    %min3A = vector.broadcast %jit3A_57 : i32 to vector<256x256xi32>
    %min3A_59 = arith.minsi %min3A, %max3A_58 : vector<256x256xi32>
    %jit3A_60 = arith.constant 0 : i32
    %jit3A_61 = arith.constant 255 : i32
    %max3A_62 = vector.broadcast %jit3A_60 : i32 to vector<256x256xi32>
    %max3A_63 = arith.maxsi %max3A_62, %convert_element_type3A_41 : vector<256x256xi32>
    %min3A_64 = vector.broadcast %jit3A_61 : i32 to vector<256x256xi32>
    %min3A_65 = arith.minsi %min3A_64, %max3A_63 : vector<256x256xi32>
    %iota3A_66 = tpu.iota {dimensions = array<i32: 0>} : vector<256x256xi32>
    %iota3A_67 = tpu.iota {dimensions = array<i32: 1>} : vector<256x256xi32>
    %mul3A_68 = arith.constant 256 : i32
    %mul3A_69 = vector.broadcast %mul3A_68 : i32 to vector<256x256xi32>
    %mul3A_70 = arith.muli %iota3A_66, %mul3A_69 : vector<256x256xi32>
    %add3A_71 = arith.addi %mul3A_70, %iota3A_67 : vector<256x256xi32>
    %and3A_72 = arith.constant 2047 : i32
    %and3A_73 = vector.broadcast %and3A_72 : i32 to vector<256x256xi32>
    %and3A_74 = arith.andi %add3A_71, %and3A_73 : vector<256x256xi32>
    %add3A_75 = arith.constant 65536 : i32
    %add3A_76 = vector.broadcast %add3A_75 : i32 to vector<256x256xi32>
    %add3A_77 = arith.addi %add3A_76, %and3A_74 : vector<256x256xi32>
    %mul3A_78 = arith.constant 256 : i32
    %mul3A_79 = vector.broadcast %mul3A_78 : i32 to vector<256x256xi32>
    %mul3A_80 = arith.muli %min3A_59, %mul3A_79 : vector<256x256xi32>
    %add3A_81 = arith.addi %mul3A_80, %min3A_65 : vector<256x256xi32>
    %select_n3A = arith.select %and3A_56, %add3A_81, %add3A_77 : vector<256x256xi1>, vector<256x256xi32>
    %reshape3A = vector.shape_cast %select_n3A : vector<256x256xi32> to vector<65536xi32>
    %swap3A = arith.constant 0 : index
    %swap3A_82 = vector.load %arg1[%swap3A] : memref<65536xi32, #tpu.memory_space<vmem>>, vector<65536xi32>
    tpu.vector_store %arg1[%swap3A], %reshape3A {strides = array<i32>} : memref<65536xi32, #tpu.memory_space<vmem>>, vector<65536xi32>,
    return
  }
}

module attributes {stable_mosaic.version = 14 : i64} {
  func.func @_cluster_body(%arg0: memref<5x256x256xf32, #tpu.memory_space<vmem>>, %arg1: memref<1x65536xf32, #tpu.memory_space<vmem>>, %arg2: memref<3x3xf32, #tpu.memory_space<smem>>, %arg3: memref<1xf32, #tpu.memory_space<smem>>, %arg4: memref<256x256xi16, #tpu.memory_space<vmem>>, %arg5: memref<256x256xf32, #tpu.memory_space<vmem>>, %arg6: memref<256x256xf32, #tpu.memory_space<vmem>>, %arg7: memref<256x256xf32, #tpu.memory_space<vmem>>, %arg8: memref<256x256xf32, #tpu.memory_space<vmem>>, %arg9: memref<256x256xi32, #tpu.memory_space<vmem>>, %arg10: memref<256x256xf32, #tpu.memory_space<vmem>>, %arg11: memref<256x256xf32, #tpu.memory_space<vmem>>) attributes {dimension_semantics = [], scalar_prefetch = 0 : i64, scratch_operands = 7 : i64, tpu.core_type = #tpu.core_type<tc>} {
    %get3A = arith.constant 0 : index
    %get3A_0 = memref.load %arg3[%get3A] : memref<1xf32, #tpu.memory_space<smem>>
    %iota3A = tpu.iota {dimensions = array<i32: 0>} : vector<256x256xi32>
    %convert_element_type3A = arith.sitofp %iota3A : vector<256x256xi32> to vector<256x256xf32>
    %iota3A_1 = tpu.iota {dimensions = array<i32: 1>} : vector<256x256xi32>
    %convert_element_type3A_2 = arith.sitofp %iota3A_1 : vector<256x256xi32> to vector<256x256xf32>
    %get3A_3 = arith.constant 0 : index
    %get3A_4 = arith.constant 0 : index
    %get3A_5 = arith.constant 0 : index
    %get3A_6 = vector.load %arg0[%get3A_3, %get3A_4, %get3A_5] : memref<5x256x256xf32, #tpu.memory_space<vmem>>, vector<1x256x256xf32>
    %get3A_7 = vector.shape_cast %get3A_6 : vector<1x256x256xf32> to vector<256x256xf32>
    %tanh3A = math.tanh %get3A_7 : vector<256x256xf32>
    %mul3A = arith.constant 0.00392156886 : f32
    %mul3A_8 = vector.broadcast %mul3A : f32 to vector<256x256xf32>
    %mul3A_9 = arith.mulf %convert_element_type3A, %mul3A_8 : vector<256x256xf32>
    %add3A = arith.addf %tanh3A, %mul3A_9 : vector<256x256xf32>
    %get3A_10 = arith.constant 1 : index
    %get3A_11 = arith.constant 0 : index
    %get3A_12 = arith.constant 0 : index
    %get3A_13 = vector.load %arg0[%get3A_10, %get3A_11, %get3A_12] : memref<5x256x256xf32, #tpu.memory_space<vmem>>, vector<1x256x256xf32>
    %get3A_14 = vector.shape_cast %get3A_13 : vector<1x256x256xf32> to vector<256x256xf32>
    %tanh3A_15 = math.tanh %get3A_14 : vector<256x256xf32>
    %mul3A_16 = arith.constant 0.00392156886 : f32
    %mul3A_17 = vector.broadcast %mul3A_16 : f32 to vector<256x256xf32>
    %mul3A_18 = arith.mulf %convert_element_type3A_2, %mul3A_17 : vector<256x256xf32>
    %add3A_19 = arith.addf %tanh3A_15, %mul3A_18 : vector<256x256xf32>
    %swap3A = arith.constant 0 : index
    %swap3A_20 = arith.constant 0 : index
    %swap3A_21 = vector.load %arg5[%swap3A, %swap3A_20] : memref<256x256xf32, #tpu.memory_space<vmem>>, vector<256x256xf32>
    tpu.vector_store %arg5[%swap3A, %swap3A_20], %add3A {strides = array<i32>} : memref<256x256xf32, #tpu.memory_space<vmem>>, vector<256x256xf32>,
    %swap3A_22 = arith.constant 0 : index
    %swap3A_23 = arith.constant 0 : index
    %swap3A_24 = vector.load %arg6[%swap3A_22, %swap3A_23] : memref<256x256xf32, #tpu.memory_space<vmem>>, vector<256x256xf32>
    tpu.vector_store %arg6[%swap3A_22, %swap3A_23], %add3A_19 {strides = array<i32>} : memref<256x256xf32, #tpu.memory_space<vmem>>, vector<256x256xf32>,
    %get3A_25 = arith.constant 4 : index
    %get3A_26 = arith.constant 0 : index
    %get3A_27 = arith.constant 0 : index
    %get3A_28 = vector.load %arg0[%get3A_25, %get3A_26, %get3A_27] : memref<5x256x256xf32, #tpu.memory_space<vmem>>, vector<1x256x256xf32>
    %get3A_29 = vector.shape_cast %get3A_28 : vector<1x256x256xf32> to vector<256x256xf32>
    %logistic3A = arith.negf %get3A_29 : vector<256x256xf32>
    %logistic3A_30 = math.exp %logistic3A : vector<256x256xf32>
    %logistic3A_31 = arith.constant 1.000000e+00 : f32
    %logistic3A_32 = vector.broadcast %logistic3A_31 : f32 to vector<256x256xf32>
    %logistic3A_33 = arith.addf %logistic3A_32, %logistic3A_30 : vector<256x256xf32>
    %logistic3A_34 = arith.divf %logistic3A_32, %logistic3A_33 : vector<256x256xf32>
    %get3A_35 = arith.constant 2 : index
    %get3A_36 = arith.constant 0 : index
    %get3A_37 = arith.constant 0 : index
    %get3A_38 = vector.load %arg0[%get3A_35, %get3A_36, %get3A_37] : memref<5x256x256xf32, #tpu.memory_space<vmem>>, vector<1x256x256xf32>
    %get3A_39 = vector.shape_cast %get3A_38 : vector<1x256x256xf32> to vector<256x256xf32>
    %logistic3A_40 = arith.negf %get3A_39 : vector<256x256xf32>
    %logistic3A_41 = math.exp %logistic3A_40 : vector<256x256xf32>
    %logistic3A_42 = arith.constant 1.000000e+00 : f32
    %logistic3A_43 = vector.broadcast %logistic3A_42 : f32 to vector<256x256xf32>
    %logistic3A_44 = arith.addf %logistic3A_43, %logistic3A_41 : vector<256x256xf32>
    %logistic3A_45 = arith.divf %logistic3A_43, %logistic3A_44 : vector<256x256xf32>
    %mul3A_46 = arith.constant 1.000000e+01 : f32
    %mul3A_47 = vector.broadcast %mul3A_46 : f32 to vector<256x256xf32>
    %mul3A_48 = arith.mulf %logistic3A_45, %mul3A_47 : vector<256x256xf32>
    %exp3A = math.exp %mul3A_48 : vector<256x256xf32>
    %get3A_49 = arith.constant 3 : index
    %get3A_50 = arith.constant 0 : index
    %get3A_51 = arith.constant 0 : index
    %get3A_52 = vector.load %arg0[%get3A_49, %get3A_50, %get3A_51] : memref<5x256x256xf32, #tpu.memory_space<vmem>>, vector<1x256x256xf32>
    %get3A_53 = vector.shape_cast %get3A_52 : vector<1x256x256xf32> to vector<256x256xf32>
    %logistic3A_54 = arith.negf %get3A_53 : vector<256x256xf32>
    %logistic3A_55 = math.exp %logistic3A_54 : vector<256x256xf32>
    %logistic3A_56 = arith.constant 1.000000e+00 : f32
    %logistic3A_57 = vector.broadcast %logistic3A_56 : f32 to vector<256x256xf32>
    %logistic3A_58 = arith.addf %logistic3A_57, %logistic3A_55 : vector<256x256xf32>
    %logistic3A_59 = arith.divf %logistic3A_57, %logistic3A_58 : vector<256x256xf32>
    %mul3A_60 = arith.constant 1.000000e+01 : f32
    %mul3A_61 = vector.broadcast %mul3A_60 : f32 to vector<256x256xf32>
    %mul3A_62 = arith.mulf %logistic3A_59, %mul3A_61 : vector<256x256xf32>
    %exp3A_63 = math.exp %mul3A_62 : vector<256x256xf32>
    %broadcast_in_dim3A = arith.constant 0.000000e+00 : f32
    %broadcast_in_dim3A_64 = vector.broadcast %broadcast_in_dim3A : f32 to vector<256x256xf32>
    %get3A_65 = arith.constant 0 : index
    %get3A_66 = arith.constant 0 : index
    %get3A_67 = memref.load %arg2[%get3A_65, %get3A_66] : memref<3x3xf32, #tpu.memory_space<smem>>
    %slice3A = vector.extract_strided_slice %exp3A {offsets = [1, 0], sizes = [1, 256], strides = [1, 1]} : vector<256x256xf32> to vector<1x256xf32>
    %slice3A_68 = vector.extract_strided_slice %exp3A {offsets = [0, 0], sizes = [255, 256], strides = [1, 1]} : vector<256x256xf32> to vector<255x256xf32>
    %concatenate3A = tpu.concatenate %slice3A, %slice3A_68 in 0 : vector<1x256xf32>, vector<255x256xf32> -> vector<256x256xf32>
    %slice3A_69 = vector.extract_strided_slice %concatenate3A {offsets = [0, 1], sizes = [256, 1], strides = [1, 1]} : vector<256x256xf32> to vector<256x1xf32>
    %slice3A_70 = vector.extract_strided_slice %concatenate3A {offsets = [0, 0], sizes = [256, 255], strides = [1, 1]} : vector<256x256xf32> to vector<256x255xf32>
    %concatenate3A_71 = tpu.concatenate %slice3A_69, %slice3A_70 in 1 : vector<256x1xf32>, vector<256x255xf32> -> vector<256x256xf32>
    %mul3A_72 = vector.broadcast %get3A_67 : f32 to vector<256x256xf32>
    %mul3A_73 = arith.mulf %mul3A_72, %concatenate3A_71 : vector<256x256xf32>
    %add3A_74 = arith.addf %broadcast_in_dim3A_64, %mul3A_73 : vector<256x256xf32>
    %get3A_75 = arith.constant 0 : index
    %get3A_76 = arith.constant 1 : index
    %get3A_77 = memref.load %arg2[%get3A_75, %get3A_76] : memref<3x3xf32, #tpu.memory_space<smem>>
    %slice3A_78 = vector.extract_strided_slice %exp3A {offsets = [1, 0], sizes = [1, 256], strides = [1, 1]} : vector<256x256xf32> to vector<1x256xf32>
    %slice3A_79 = vector.extract_strided_slice %exp3A {offsets = [0, 0], sizes = [255, 256], strides = [1, 1]} : vector<256x256xf32> to vector<255x256xf32>
    %concatenate3A_80 = tpu.concatenate %slice3A_78, %slice3A_79 in 0 : vector<1x256xf32>, vector<255x256xf32> -> vector<256x256xf32>
    %mul3A_81 = vector.broadcast %get3A_77 : f32 to vector<256x256xf32>
    %mul3A_82 = arith.mulf %mul3A_81, %concatenate3A_80 : vector<256x256xf32>
    %add3A_83 = arith.addf %add3A_74, %mul3A_82 : vector<256x256xf32>
    %get3A_84 = arith.constant 0 : index
    %get3A_85 = arith.constant 2 : index
    %get3A_86 = memref.load %arg2[%get3A_84, %get3A_85] : memref<3x3xf32, #tpu.memory_space<smem>>
    %slice3A_87 = vector.extract_strided_slice %exp3A {offsets = [1, 0], sizes = [1, 256], strides = [1, 1]} : vector<256x256xf32> to vector<1x256xf32>
    %slice3A_88 = vector.extract_strided_slice %exp3A {offsets = [0, 0], sizes = [255, 256], strides = [1, 1]} : vector<256x256xf32> to vector<255x256xf32>
    %concatenate3A_89 = tpu.concatenate %slice3A_87, %slice3A_88 in 0 : vector<1x256xf32>, vector<255x256xf32> -> vector<256x256xf32>
    %slice3A_90 = vector.extract_strided_slice %concatenate3A_89 {offsets = [0, 1], sizes = [256, 255], strides = [1, 1]} : vector<256x256xf32> to vector<256x255xf32>
    %slice3A_91 = vector.extract_strided_slice %concatenate3A_89 {offsets = [0, 254], sizes = [256, 1], strides = [1, 1]} : vector<256x256xf32> to vector<256x1xf32>
    %concatenate3A_92 = tpu.concatenate %slice3A_90, %slice3A_91 in 1 : vector<256x255xf32>, vector<256x1xf32> -> vector<256x256xf32>
    %mul3A_93 = vector.broadcast %get3A_86 : f32 to vector<256x256xf32>
    %mul3A_94 = arith.mulf %mul3A_93, %concatenate3A_92 : vector<256x256xf32>
    %add3A_95 = arith.addf %add3A_83, %mul3A_94 : vector<256x256xf32>
    %get3A_96 = arith.constant 1 : index
    %get3A_97 = arith.constant 0 : index
    %get3A_98 = memref.load %arg2[%get3A_96, %get3A_97] : memref<3x3xf32, #tpu.memory_space<smem>>
    %slice3A_99 = vector.extract_strided_slice %exp3A {offsets = [0, 1], sizes = [256, 1], strides = [1, 1]} : vector<256x256xf32> to vector<256x1xf32>
    %slice3A_100 = vector.extract_strided_slice %exp3A {offsets = [0, 0], sizes = [256, 255], strides = [1, 1]} : vector<256x256xf32> to vector<256x255xf32>
    %concatenate3A_101 = tpu.concatenate %slice3A_99, %slice3A_100 in 1 : vector<256x1xf32>, vector<256x255xf32> -> vector<256x256xf32>
    %mul3A_102 = vector.broadcast %get3A_98 : f32 to vector<256x256xf32>
    %mul3A_103 = arith.mulf %mul3A_102, %concatenate3A_101 : vector<256x256xf32>
    %add3A_104 = arith.addf %add3A_95, %mul3A_103 : vector<256x256xf32>
    %get3A_105 = arith.constant 1 : index
    %get3A_106 = arith.constant 1 : index
    %get3A_107 = memref.load %arg2[%get3A_105, %get3A_106] : memref<3x3xf32, #tpu.memory_space<smem>>
    %mul3A_108 = vector.broadcast %get3A_107 : f32 to vector<256x256xf32>
    %mul3A_109 = arith.mulf %mul3A_108, %exp3A : vector<256x256xf32>
    %add3A_110 = arith.addf %add3A_104, %mul3A_109 : vector<256x256xf32>
    %get3A_111 = arith.constant 1 : index
    %get3A_112 = arith.constant 2 : index
    %get3A_113 = memref.load %arg2[%get3A_111, %get3A_112] : memref<3x3xf32, #tpu.memory_space<smem>>
    %slice3A_114 = vector.extract_strided_slice %exp3A {offsets = [0, 1], sizes = [256, 255], strides = [1, 1]} : vector<256x256xf32> to vector<256x255xf32>
    %slice3A_115 = vector.extract_strided_slice %exp3A {offsets = [0, 254], sizes = [256, 1], strides = [1, 1]} : vector<256x256xf32> to vector<256x1xf32>
    %concatenate3A_116 = tpu.concatenate %slice3A_114, %slice3A_115 in 1 : vector<256x255xf32>, vector<256x1xf32> -> vector<256x256xf32>
    %mul3A_117 = vector.broadcast %get3A_113 : f32 to vector<256x256xf32>
    %mul3A_118 = arith.mulf %mul3A_117, %concatenate3A_116 : vector<256x256xf32>
    %add3A_119 = arith.addf %add3A_110, %mul3A_118 : vector<256x256xf32>
    %get3A_120 = arith.constant 2 : index
    %get3A_121 = arith.constant 0 : index
    %get3A_122 = memref.load %arg2[%get3A_120, %get3A_121] : memref<3x3xf32, #tpu.memory_space<smem>>
    %slice3A_123 = vector.extract_strided_slice %exp3A {offsets = [1, 0], sizes = [255, 256], strides = [1, 1]} : vector<256x256xf32> to vector<255x256xf32>
    %slice3A_124 = vector.extract_strided_slice %exp3A {offsets = [254, 0], sizes = [1, 256], strides = [1, 1]} : vector<256x256xf32> to vector<1x256xf32>
    %concatenate3A_125 = tpu.concatenate %slice3A_123, %slice3A_124 in 0 : vector<255x256xf32>, vector<1x256xf32> -> vector<256x256xf32>
    %slice3A_126 = vector.extract_strided_slice %concatenate3A_125 {offsets = [0, 1], sizes = [256, 1], strides = [1, 1]} : vector<256x256xf32> to vector<256x1xf32>
    %slice3A_127 = vector.extract_strided_slice %concatenate3A_125 {offsets = [0, 0], sizes = [256, 255], strides = [1, 1]} : vector<256x256xf32> to vector<256x255xf32>
    %concatenate3A_128 = tpu.concatenate %slice3A_126, %slice3A_127 in 1 : vector<256x1xf32>, vector<256x255xf32> -> vector<256x256xf32>
    %mul3A_129 = vector.broadcast %get3A_122 : f32 to vector<256x256xf32>
    %mul3A_130 = arith.mulf %mul3A_129, %concatenate3A_128 : vector<256x256xf32>
    %add3A_131 = arith.addf %add3A_119, %mul3A_130 : vector<256x256xf32>
    %get3A_132 = arith.constant 2 : index
    %get3A_133 = arith.constant 1 : index
    %get3A_134 = memref.load %arg2[%get3A_132, %get3A_133] : memref<3x3xf32, #tpu.memory_space<smem>>
    %slice3A_135 = vector.extract_strided_slice %exp3A {offsets = [1, 0], sizes = [255, 256], strides = [1, 1]} : vector<256x256xf32> to vector<255x256xf32>
    %slice3A_136 = vector.extract_strided_slice %exp3A {offsets = [254, 0], sizes = [1, 256], strides = [1, 1]} : vector<256x256xf32> to vector<1x256xf32>
    %concatenate3A_137 = tpu.concatenate %slice3A_135, %slice3A_136 in 0 : vector<255x256xf32>, vector<1x256xf32> -> vector<256x256xf32>
    %mul3A_138 = vector.broadcast %get3A_134 : f32 to vector<256x256xf32>
    %mul3A_139 = arith.mulf %mul3A_138, %concatenate3A_137 : vector<256x256xf32>
    %add3A_140 = arith.addf %add3A_131, %mul3A_139 : vector<256x256xf32>
    %get3A_141 = arith.constant 2 : index
    %get3A_142 = arith.constant 2 : index
    %get3A_143 = memref.load %arg2[%get3A_141, %get3A_142] : memref<3x3xf32, #tpu.memory_space<smem>>
    %slice3A_144 = vector.extract_strided_slice %exp3A {offsets = [1, 0], sizes = [255, 256], strides = [1, 1]} : vector<256x256xf32> to vector<255x256xf32>
    %slice3A_145 = vector.extract_strided_slice %exp3A {offsets = [254, 0], sizes = [1, 256], strides = [1, 1]} : vector<256x256xf32> to vector<1x256xf32>
    %concatenate3A_146 = tpu.concatenate %slice3A_144, %slice3A_145 in 0 : vector<255x256xf32>, vector<1x256xf32> -> vector<256x256xf32>
    %slice3A_147 = vector.extract_strided_slice %concatenate3A_146 {offsets = [0, 1], sizes = [256, 255], strides = [1, 1]} : vector<256x256xf32> to vector<256x255xf32>
    %slice3A_148 = vector.extract_strided_slice %concatenate3A_146 {offsets = [0, 254], sizes = [256, 1], strides = [1, 1]} : vector<256x256xf32> to vector<256x1xf32>
    %concatenate3A_149 = tpu.concatenate %slice3A_147, %slice3A_148 in 1 : vector<256x255xf32>, vector<256x1xf32> -> vector<256x256xf32>
    %mul3A_150 = vector.broadcast %get3A_143 : f32 to vector<256x256xf32>
    %mul3A_151 = arith.mulf %mul3A_150, %concatenate3A_149 : vector<256x256xf32>
    %add3A_152 = arith.addf %add3A_140, %mul3A_151 : vector<256x256xf32>
    %add3A_153 = vector.broadcast %get3A_0 : f32 to vector<256x256xf32>
    %add3A_154 = arith.addf %add3A_152, %add3A_153 : vector<256x256xf32>
    %swap3A_155 = arith.constant 0 : index
    %swap3A_156 = arith.constant 0 : index
    %swap3A_157 = vector.load %arg7[%swap3A_155, %swap3A_156] : memref<256x256xf32, #tpu.memory_space<vmem>>, vector<256x256xf32>
    tpu.vector_store %arg7[%swap3A_155, %swap3A_156], %add3A_154 {strides = array<i32>} : memref<256x256xf32, #tpu.memory_space<vmem>>, vector<256x256xf32>,
    %broadcast_in_dim3A_158 = arith.constant 0.000000e+00 : f32
    %broadcast_in_dim3A_159 = vector.broadcast %broadcast_in_dim3A_158 : f32 to vector<256x256xf32>
    %get3A_160 = arith.constant 0 : index
    %get3A_161 = arith.constant 0 : index
    %get3A_162 = memref.load %arg2[%get3A_160, %get3A_161] : memref<3x3xf32, #tpu.memory_space<smem>>
    %slice3A_163 = vector.extract_strided_slice %exp3A_63 {offsets = [1, 0], sizes = [1, 256], strides = [1, 1]} : vector<256x256xf32> to vector<1x256xf32>
    %slice3A_164 = vector.extract_strided_slice %exp3A_63 {offsets = [0, 0], sizes = [255, 256], strides = [1, 1]} : vector<256x256xf32> to vector<255x256xf32>
    %concatenate3A_165 = tpu.concatenate %slice3A_163, %slice3A_164 in 0 : vector<1x256xf32>, vector<255x256xf32> -> vector<256x256xf32>
    %slice3A_166 = vector.extract_strided_slice %concatenate3A_165 {offsets = [0, 1], sizes = [256, 1], strides = [1, 1]} : vector<256x256xf32> to vector<256x1xf32>
    %slice3A_167 = vector.extract_strided_slice %concatenate3A_165 {offsets = [0, 0], sizes = [256, 255], strides = [1, 1]} : vector<256x256xf32> to vector<256x255xf32>
    %concatenate3A_168 = tpu.concatenate %slice3A_166, %slice3A_167 in 1 : vector<256x1xf32>, vector<256x255xf32> -> vector<256x256xf32>
    %mul3A_169 = vector.broadcast %get3A_162 : f32 to vector<256x256xf32>
    %mul3A_170 = arith.mulf %mul3A_169, %concatenate3A_168 : vector<256x256xf32>
    %add3A_171 = arith.addf %broadcast_in_dim3A_159, %mul3A_170 : vector<256x256xf32>
    %get3A_172 = arith.constant 0 : index
    %get3A_173 = arith.constant 1 : index
    %get3A_174 = memref.load %arg2[%get3A_172, %get3A_173] : memref<3x3xf32, #tpu.memory_space<smem>>
    %slice3A_175 = vector.extract_strided_slice %exp3A_63 {offsets = [1, 0], sizes = [1, 256], strides = [1, 1]} : vector<256x256xf32> to vector<1x256xf32>
    %slice3A_176 = vector.extract_strided_slice %exp3A_63 {offsets = [0, 0], sizes = [255, 256], strides = [1, 1]} : vector<256x256xf32> to vector<255x256xf32>
    %concatenate3A_177 = tpu.concatenate %slice3A_175, %slice3A_176 in 0 : vector<1x256xf32>, vector<255x256xf32> -> vector<256x256xf32>
    %mul3A_178 = vector.broadcast %get3A_174 : f32 to vector<256x256xf32>
    %mul3A_179 = arith.mulf %mul3A_178, %concatenate3A_177 : vector<256x256xf32>
    %add3A_180 = arith.addf %add3A_171, %mul3A_179 : vector<256x256xf32>
    %get3A_181 = arith.constant 0 : index
    %get3A_182 = arith.constant 2 : index
    %get3A_183 = memref.load %arg2[%get3A_181, %get3A_182] : memref<3x3xf32, #tpu.memory_space<smem>>
    %slice3A_184 = vector.extract_strided_slice %exp3A_63 {offsets = [1, 0], sizes = [1, 256], strides = [1, 1]} : vector<256x256xf32> to vector<1x256xf32>
    %slice3A_185 = vector.extract_strided_slice %exp3A_63 {offsets = [0, 0], sizes = [255, 256], strides = [1, 1]} : vector<256x256xf32> to vector<255x256xf32>
    %concatenate3A_186 = tpu.concatenate %slice3A_184, %slice3A_185 in 0 : vector<1x256xf32>, vector<255x256xf32> -> vector<256x256xf32>
    %slice3A_187 = vector.extract_strided_slice %concatenate3A_186 {offsets = [0, 1], sizes = [256, 255], strides = [1, 1]} : vector<256x256xf32> to vector<256x255xf32>
    %slice3A_188 = vector.extract_strided_slice %concatenate3A_186 {offsets = [0, 254], sizes = [256, 1], strides = [1, 1]} : vector<256x256xf32> to vector<256x1xf32>
    %concatenate3A_189 = tpu.concatenate %slice3A_187, %slice3A_188 in 1 : vector<256x255xf32>, vector<256x1xf32> -> vector<256x256xf32>
    %mul3A_190 = vector.broadcast %get3A_183 : f32 to vector<256x256xf32>
    %mul3A_191 = arith.mulf %mul3A_190, %concatenate3A_189 : vector<256x256xf32>
    %add3A_192 = arith.addf %add3A_180, %mul3A_191 : vector<256x256xf32>
    %get3A_193 = arith.constant 1 : index
    %get3A_194 = arith.constant 0 : index
    %get3A_195 = memref.load %arg2[%get3A_193, %get3A_194] : memref<3x3xf32, #tpu.memory_space<smem>>
    %slice3A_196 = vector.extract_strided_slice %exp3A_63 {offsets = [0, 1], sizes = [256, 1], strides = [1, 1]} : vector<256x256xf32> to vector<256x1xf32>
    %slice3A_197 = vector.extract_strided_slice %exp3A_63 {offsets = [0, 0], sizes = [256, 255], strides = [1, 1]} : vector<256x256xf32> to vector<256x255xf32>
    %concatenate3A_198 = tpu.concatenate %slice3A_196, %slice3A_197 in 1 : vector<256x1xf32>, vector<256x255xf32> -> vector<256x256xf32>
    %mul3A_199 = vector.broadcast %get3A_195 : f32 to vector<256x256xf32>
    %mul3A_200 = arith.mulf %mul3A_199, %concatenate3A_198 : vector<256x256xf32>
    %add3A_201 = arith.addf %add3A_192, %mul3A_200 : vector<256x256xf32>
    %get3A_202 = arith.constant 1 : index
    %get3A_203 = arith.constant 1 : index
    %get3A_204 = memref.load %arg2[%get3A_202, %get3A_203] : memref<3x3xf32, #tpu.memory_space<smem>>
    %mul3A_205 = vector.broadcast %get3A_204 : f32 to vector<256x256xf32>
    %mul3A_206 = arith.mulf %mul3A_205, %exp3A_63 : vector<256x256xf32>
    %add3A_207 = arith.addf %add3A_201, %mul3A_206 : vector<256x256xf32>
    %get3A_208 = arith.constant 1 : index
    %get3A_209 = arith.constant 2 : index
    %get3A_210 = memref.load %arg2[%get3A_208, %get3A_209] : memref<3x3xf32, #tpu.memory_space<smem>>
    %slice3A_211 = vector.extract_strided_slice %exp3A_63 {offsets = [0, 1], sizes = [256, 255], strides = [1, 1]} : vector<256x256xf32> to vector<256x255xf32>
    %slice3A_212 = vector.extract_strided_slice %exp3A_63 {offsets = [0, 254], sizes = [256, 1], strides = [1, 1]} : vector<256x256xf32> to vector<256x1xf32>
    %concatenate3A_213 = tpu.concatenate %slice3A_211, %slice3A_212 in 1 : vector<256x255xf32>, vector<256x1xf32> -> vector<256x256xf32>
    %mul3A_214 = vector.broadcast %get3A_210 : f32 to vector<256x256xf32>
    %mul3A_215 = arith.mulf %mul3A_214, %concatenate3A_213 : vector<256x256xf32>
    %add3A_216 = arith.addf %add3A_207, %mul3A_215 : vector<256x256xf32>
    %get3A_217 = arith.constant 2 : index
    %get3A_218 = arith.constant 0 : index
    %get3A_219 = memref.load %arg2[%get3A_217, %get3A_218] : memref<3x3xf32, #tpu.memory_space<smem>>
    %slice3A_220 = vector.extract_strided_slice %exp3A_63 {offsets = [1, 0], sizes = [255, 256], strides = [1, 1]} : vector<256x256xf32> to vector<255x256xf32>
    %slice3A_221 = vector.extract_strided_slice %exp3A_63 {offsets = [254, 0], sizes = [1, 256], strides = [1, 1]} : vector<256x256xf32> to vector<1x256xf32>
    %concatenate3A_222 = tpu.concatenate %slice3A_220, %slice3A_221 in 0 : vector<255x256xf32>, vector<1x256xf32> -> vector<256x256xf32>
    %slice3A_223 = vector.extract_strided_slice %concatenate3A_222 {offsets = [0, 1], sizes = [256, 1], strides = [1, 1]} : vector<256x256xf32> to vector<256x1xf32>
    %slice3A_224 = vector.extract_strided_slice %concatenate3A_222 {offsets = [0, 0], sizes = [256, 255], strides = [1, 1]} : vector<256x256xf32> to vector<256x255xf32>
    %concatenate3A_225 = tpu.concatenate %slice3A_223, %slice3A_224 in 1 : vector<256x1xf32>, vector<256x255xf32> -> vector<256x256xf32>
    %mul3A_226 = vector.broadcast %get3A_219 : f32 to vector<256x256xf32>
    %mul3A_227 = arith.mulf %mul3A_226, %concatenate3A_225 : vector<256x256xf32>
    %add3A_228 = arith.addf %add3A_216, %mul3A_227 : vector<256x256xf32>
    %get3A_229 = arith.constant 2 : index
    %get3A_230 = arith.constant 1 : index
    %get3A_231 = memref.load %arg2[%get3A_229, %get3A_230] : memref<3x3xf32, #tpu.memory_space<smem>>
    %slice3A_232 = vector.extract_strided_slice %exp3A_63 {offsets = [1, 0], sizes = [255, 256], strides = [1, 1]} : vector<256x256xf32> to vector<255x256xf32>
    %slice3A_233 = vector.extract_strided_slice %exp3A_63 {offsets = [254, 0], sizes = [1, 256], strides = [1, 1]} : vector<256x256xf32> to vector<1x256xf32>
    %concatenate3A_234 = tpu.concatenate %slice3A_232, %slice3A_233 in 0 : vector<255x256xf32>, vector<1x256xf32> -> vector<256x256xf32>
    %mul3A_235 = vector.broadcast %get3A_231 : f32 to vector<256x256xf32>
    %mul3A_236 = arith.mulf %mul3A_235, %concatenate3A_234 : vector<256x256xf32>
    %add3A_237 = arith.addf %add3A_228, %mul3A_236 : vector<256x256xf32>
    %get3A_238 = arith.constant 2 : index
    %get3A_239 = arith.constant 2 : index
    %get3A_240 = memref.load %arg2[%get3A_238, %get3A_239] : memref<3x3xf32, #tpu.memory_space<smem>>
    %slice3A_241 = vector.extract_strided_slice %exp3A_63 {offsets = [1, 0], sizes = [255, 256], strides = [1, 1]} : vector<256x256xf32> to vector<255x256xf32>
    %slice3A_242 = vector.extract_strided_slice %exp3A_63 {offsets = [254, 0], sizes = [1, 256], strides = [1, 1]} : vector<256x256xf32> to vector<1x256xf32>
    %concatenate3A_243 = tpu.concatenate %slice3A_241, %slice3A_242 in 0 : vector<255x256xf32>, vector<1x256xf32> -> vector<256x256xf32>
    %slice3A_244 = vector.extract_strided_slice %concatenate3A_243 {offsets = [0, 1], sizes = [256, 255], strides = [1, 1]} : vector<256x256xf32> to vector<256x255xf32>
    %slice3A_245 = vector.extract_strided_slice %concatenate3A_243 {offsets = [0, 254], sizes = [256, 1], strides = [1, 1]} : vector<256x256xf32> to vector<256x1xf32>
    %concatenate3A_246 = tpu.concatenate %slice3A_244, %slice3A_245 in 1 : vector<256x255xf32>, vector<256x1xf32> -> vector<256x256xf32>
    %mul3A_247 = vector.broadcast %get3A_240 : f32 to vector<256x256xf32>
    %mul3A_248 = arith.mulf %mul3A_247, %concatenate3A_246 : vector<256x256xf32>
    %add3A_249 = arith.addf %add3A_237, %mul3A_248 : vector<256x256xf32>
    %add3A_250 = vector.broadcast %get3A_0 : f32 to vector<256x256xf32>
    %add3A_251 = arith.addf %add3A_249, %add3A_250 : vector<256x256xf32>
    %swap3A_252 = arith.constant 0 : index
    %swap3A_253 = arith.constant 0 : index
    %swap3A_254 = vector.load %arg8[%swap3A_252, %swap3A_253] : memref<256x256xf32, #tpu.memory_space<vmem>>, vector<256x256xf32>
    tpu.vector_store %arg8[%swap3A_252, %swap3A_253], %add3A_251 {strides = array<i32>} : memref<256x256xf32, #tpu.memory_space<vmem>>, vector<256x256xf32>,
    %get3A_255 = arith.constant 0 : index
    %get3A_256 = arith.constant 0 : index
    %get3A_257 = vector.load %arg1[%get3A_255, %get3A_256] : memref<1x65536xf32, #tpu.memory_space<vmem>>, vector<1x65536xf32>
    %get3A_258 = vector.shape_cast %get3A_257 : vector<1x65536xf32> to vector<65536xf32>
    %reshape3A = vector.shape_cast %get3A_258 : vector<65536xf32> to vector<256x256xf32>
    %broadcast_in_dim3A_259 = arith.constant 0.000000e+00 : f32
    %broadcast_in_dim3A_260 = vector.broadcast %broadcast_in_dim3A_259 : f32 to vector<256x256xf32>
    %get3A_261 = arith.constant 0 : index
    %get3A_262 = arith.constant 0 : index
    %get3A_263 = memref.load %arg2[%get3A_261, %get3A_262] : memref<3x3xf32, #tpu.memory_space<smem>>
    %slice3A_264 = vector.extract_strided_slice %reshape3A {offsets = [1, 0], sizes = [1, 256], strides = [1, 1]} : vector<256x256xf32> to vector<1x256xf32>
    %slice3A_265 = vector.extract_strided_slice %reshape3A {offsets = [0, 0], sizes = [255, 256], strides = [1, 1]} : vector<256x256xf32> to vector<255x256xf32>
    %concatenate3A_266 = tpu.concatenate %slice3A_264, %slice3A_265 in 0 : vector<1x256xf32>, vector<255x256xf32> -> vector<256x256xf32>
    %slice3A_267 = vector.extract_strided_slice %concatenate3A_266 {offsets = [0, 1], sizes = [256, 1], strides = [1, 1]} : vector<256x256xf32> to vector<256x1xf32>
    %slice3A_268 = vector.extract_strided_slice %concatenate3A_266 {offsets = [0, 0], sizes = [256, 255], strides = [1, 1]} : vector<256x256xf32> to vector<256x255xf32>
    %concatenate3A_269 = tpu.concatenate %slice3A_267, %slice3A_268 in 1 : vector<256x1xf32>, vector<256x255xf32> -> vector<256x256xf32>
    %mul3A_270 = vector.broadcast %get3A_263 : f32 to vector<256x256xf32>
    %mul3A_271 = arith.mulf %mul3A_270, %concatenate3A_269 : vector<256x256xf32>
    %add3A_272 = arith.addf %broadcast_in_dim3A_260, %mul3A_271 : vector<256x256xf32>
    %get3A_273 = arith.constant 0 : index
    %get3A_274 = arith.constant 1 : index
    %get3A_275 = memref.load %arg2[%get3A_273, %get3A_274] : memref<3x3xf32, #tpu.memory_space<smem>>
    %slice3A_276 = vector.extract_strided_slice %reshape3A {offsets = [1, 0], sizes = [1, 256], strides = [1, 1]} : vector<256x256xf32> to vector<1x256xf32>
    %slice3A_277 = vector.extract_strided_slice %reshape3A {offsets = [0, 0], sizes = [255, 256], strides = [1, 1]} : vector<256x256xf32> to vector<255x256xf32>
    %concatenate3A_278 = tpu.concatenate %slice3A_276, %slice3A_277 in 0 : vector<1x256xf32>, vector<255x256xf32> -> vector<256x256xf32>
    %mul3A_279 = vector.broadcast %get3A_275 : f32 to vector<256x256xf32>
    %mul3A_280 = arith.mulf %mul3A_279, %concatenate3A_278 : vector<256x256xf32>
    %add3A_281 = arith.addf %add3A_272, %mul3A_280 : vector<256x256xf32>
    %get3A_282 = arith.constant 0 : index
    %get3A_283 = arith.constant 2 : index
    %get3A_284 = memref.load %arg2[%get3A_282, %get3A_283] : memref<3x3xf32, #tpu.memory_space<smem>>
    %slice3A_285 = vector.extract_strided_slice %reshape3A {offsets = [1, 0], sizes = [1, 256], strides = [1, 1]} : vector<256x256xf32> to vector<1x256xf32>
    %slice3A_286 = vector.extract_strided_slice %reshape3A {offsets = [0, 0], sizes = [255, 256], strides = [1, 1]} : vector<256x256xf32> to vector<255x256xf32>
    %concatenate3A_287 = tpu.concatenate %slice3A_285, %slice3A_286 in 0 : vector<1x256xf32>, vector<255x256xf32> -> vector<256x256xf32>
    %slice3A_288 = vector.extract_strided_slice %concatenate3A_287 {offsets = [0, 1], sizes = [256, 255], strides = [1, 1]} : vector<256x256xf32> to vector<256x255xf32>
    %slice3A_289 = vector.extract_strided_slice %concatenate3A_287 {offsets = [0, 254], sizes = [256, 1], strides = [1, 1]} : vector<256x256xf32> to vector<256x1xf32>
    %concatenate3A_290 = tpu.concatenate %slice3A_288, %slice3A_289 in 1 : vector<256x255xf32>, vector<256x1xf32> -> vector<256x256xf32>
    %mul3A_291 = vector.broadcast %get3A_284 : f32 to vector<256x256xf32>
    %mul3A_292 = arith.mulf %mul3A_291, %concatenate3A_290 : vector<256x256xf32>
    %add3A_293 = arith.addf %add3A_281, %mul3A_292 : vector<256x256xf32>
    %get3A_294 = arith.constant 1 : index
    %get3A_295 = arith.constant 0 : index
    %get3A_296 = memref.load %arg2[%get3A_294, %get3A_295] : memref<3x3xf32, #tpu.memory_space<smem>>
    %slice3A_297 = vector.extract_strided_slice %reshape3A {offsets = [0, 1], sizes = [256, 1], strides = [1, 1]} : vector<256x256xf32> to vector<256x1xf32>
    %slice3A_298 = vector.extract_strided_slice %reshape3A {offsets = [0, 0], sizes = [256, 255], strides = [1, 1]} : vector<256x256xf32> to vector<256x255xf32>
    %concatenate3A_299 = tpu.concatenate %slice3A_297, %slice3A_298 in 1 : vector<256x1xf32>, vector<256x255xf32> -> vector<256x256xf32>
    %mul3A_300 = vector.broadcast %get3A_296 : f32 to vector<256x256xf32>
    %mul3A_301 = arith.mulf %mul3A_300, %concatenate3A_299 : vector<256x256xf32>
    %add3A_302 = arith.addf %add3A_293, %mul3A_301 : vector<256x256xf32>
    %get3A_303 = arith.constant 1 : index
    %get3A_304 = arith.constant 1 : index
    %get3A_305 = memref.load %arg2[%get3A_303, %get3A_304] : memref<3x3xf32, #tpu.memory_space<smem>>
    %mul3A_306 = vector.broadcast %get3A_305 : f32 to vector<256x256xf32>
    %mul3A_307 = arith.mulf %mul3A_306, %reshape3A : vector<256x256xf32>
    %add3A_308 = arith.addf %add3A_302, %mul3A_307 : vector<256x256xf32>
    %get3A_309 = arith.constant 1 : index
    %get3A_310 = arith.constant 2 : index
    %get3A_311 = memref.load %arg2[%get3A_309, %get3A_310] : memref<3x3xf32, #tpu.memory_space<smem>>
    %slice3A_312 = vector.extract_strided_slice %reshape3A {offsets = [0, 1], sizes = [256, 255], strides = [1, 1]} : vector<256x256xf32> to vector<256x255xf32>
    %slice3A_313 = vector.extract_strided_slice %reshape3A {offsets = [0, 254], sizes = [256, 1], strides = [1, 1]} : vector<256x256xf32> to vector<256x1xf32>
    %concatenate3A_314 = tpu.concatenate %slice3A_312, %slice3A_313 in 1 : vector<256x255xf32>, vector<256x1xf32> -> vector<256x256xf32>
    %mul3A_315 = vector.broadcast %get3A_311 : f32 to vector<256x256xf32>
    %mul3A_316 = arith.mulf %mul3A_315, %concatenate3A_314 : vector<256x256xf32>
    %add3A_317 = arith.addf %add3A_308, %mul3A_316 : vector<256x256xf32>
    %get3A_318 = arith.constant 2 : index
    %get3A_319 = arith.constant 0 : index
    %get3A_320 = memref.load %arg2[%get3A_318, %get3A_319] : memref<3x3xf32, #tpu.memory_space<smem>>
    %slice3A_321 = vector.extract_strided_slice %reshape3A {offsets = [1, 0], sizes = [255, 256], strides = [1, 1]} : vector<256x256xf32> to vector<255x256xf32>
    %slice3A_322 = vector.extract_strided_slice %reshape3A {offsets = [254, 0], sizes = [1, 256], strides = [1, 1]} : vector<256x256xf32> to vector<1x256xf32>
    %concatenate3A_323 = tpu.concatenate %slice3A_321, %slice3A_322 in 0 : vector<255x256xf32>, vector<1x256xf32> -> vector<256x256xf32>
    %slice3A_324 = vector.extract_strided_slice %concatenate3A_323 {offsets = [0, 1], sizes = [256, 1], strides = [1, 1]} : vector<256x256xf32> to vector<256x1xf32>
    %slice3A_325 = vector.extract_strided_slice %concatenate3A_323 {offsets = [0, 0], sizes = [256, 255], strides = [1, 1]} : vector<256x256xf32> to vector<256x255xf32>
    %concatenate3A_326 = tpu.concatenate %slice3A_324, %slice3A_325 in 1 : vector<256x1xf32>, vector<256x255xf32> -> vector<256x256xf32>
    %mul3A_327 = vector.broadcast %get3A_320 : f32 to vector<256x256xf32>
    %mul3A_328 = arith.mulf %mul3A_327, %concatenate3A_326 : vector<256x256xf32>
    %add3A_329 = arith.addf %add3A_317, %mul3A_328 : vector<256x256xf32>
    %get3A_330 = arith.constant 2 : index
    %get3A_331 = arith.constant 1 : index
    %get3A_332 = memref.load %arg2[%get3A_330, %get3A_331] : memref<3x3xf32, #tpu.memory_space<smem>>
    %slice3A_333 = vector.extract_strided_slice %reshape3A {offsets = [1, 0], sizes = [255, 256], strides = [1, 1]} : vector<256x256xf32> to vector<255x256xf32>
    %slice3A_334 = vector.extract_strided_slice %reshape3A {offsets = [254, 0], sizes = [1, 256], strides = [1, 1]} : vector<256x256xf32> to vector<1x256xf32>
    %concatenate3A_335 = tpu.concatenate %slice3A_333, %slice3A_334 in 0 : vector<255x256xf32>, vector<1x256xf32> -> vector<256x256xf32>
    %mul3A_336 = vector.broadcast %get3A_332 : f32 to vector<256x256xf32>
    %mul3A_337 = arith.mulf %mul3A_336, %concatenate3A_335 : vector<256x256xf32>
    %add3A_338 = arith.addf %add3A_329, %mul3A_337 : vector<256x256xf32>
    %get3A_339 = arith.constant 2 : index
    %get3A_340 = arith.constant 2 : index
    %get3A_341 = memref.load %arg2[%get3A_339, %get3A_340] : memref<3x3xf32, #tpu.memory_space<smem>>
    %slice3A_342 = vector.extract_strided_slice %reshape3A {offsets = [1, 0], sizes = [255, 256], strides = [1, 1]} : vector<256x256xf32> to vector<255x256xf32>
    %slice3A_343 = vector.extract_strided_slice %reshape3A {offsets = [254, 0], sizes = [1, 256], strides = [1, 1]} : vector<256x256xf32> to vector<1x256xf32>
    %concatenate3A_344 = tpu.concatenate %slice3A_342, %slice3A_343 in 0 : vector<255x256xf32>, vector<1x256xf32> -> vector<256x256xf32>
    %slice3A_345 = vector.extract_strided_slice %concatenate3A_344 {offsets = [0, 1], sizes = [256, 255], strides = [1, 1]} : vector<256x256xf32> to vector<256x255xf32>
    %slice3A_346 = vector.extract_strided_slice %concatenate3A_344 {offsets = [0, 254], sizes = [256, 1], strides = [1, 1]} : vector<256x256xf32> to vector<256x1xf32>
    %concatenate3A_347 = tpu.concatenate %slice3A_345, %slice3A_346 in 1 : vector<256x255xf32>, vector<256x1xf32> -> vector<256x256xf32>
    %mul3A_348 = vector.broadcast %get3A_341 : f32 to vector<256x256xf32>
    %mul3A_349 = arith.mulf %mul3A_348, %concatenate3A_347 : vector<256x256xf32>
    %add3A_350 = arith.addf %add3A_338, %mul3A_349 : vector<256x256xf32>
    %add3A_351 = vector.broadcast %get3A_0 : f32 to vector<256x256xf32>
    %add3A_352 = arith.addf %add3A_350, %add3A_351 : vector<256x256xf32>
    %mul3A_353 = arith.constant 9.000000e+00 : f32
    %mul3A_354 = vector.broadcast %mul3A_353 : f32 to vector<256x256xf32>
    %mul3A_355 = arith.mulf %add3A_352, %mul3A_354 : vector<256x256xf32>
    %ge3A = arith.constant 4.500000e+00 : f32
    %ge3A_356 = vector.broadcast %ge3A : f32 to vector<256x256xf32>
    %ge3A_357 = arith.cmpf oge, %mul3A_355, %ge3A_356 : vector<256x256xf32>
    %gt3A = arith.constant 1.000000e-01 : f32
    %gt3A_358 = vector.broadcast %gt3A : f32 to vector<256x256xf32>
    %gt3A_359 = arith.cmpf ogt, %logistic3A_34, %gt3A_358 : vector<256x256xf32>
    %and3A = arith.andi %ge3A_357, %gt3A_359 : vector<256x256xi1>
    %convert_element_type3A_360 = arith.extui %and3A : vector<256x256xi1> to vector<256x256xi32>
    %convert_element_type3A_361 = arith.sitofp %convert_element_type3A_360 : vector<256x256xi32> to vector<256x256xf32>
    %swap3A_362 = arith.constant 0 : index
    %swap3A_363 = arith.constant 0 : index
    %swap3A_364 = vector.load %arg10[%swap3A_362, %swap3A_363] : memref<256x256xf32, #tpu.memory_space<vmem>>, vector<256x256xf32>
    tpu.vector_store %arg10[%swap3A_362, %swap3A_363], %convert_element_type3A_361 {strides = array<i32>} : memref<256x256xf32, #tpu.memory_space<vmem>>, vector<256x256xf32>,
    %broadcast_in_dim3A_365 = arith.constant 0.000000e+00 : f32
    %broadcast_in_dim3A_366 = vector.broadcast %broadcast_in_dim3A_365 : f32 to vector<256x256xf32>
    %swap3A_367 = arith.constant 0 : index
    %swap3A_368 = arith.constant 0 : index
    %swap3A_369 = vector.load %arg11[%swap3A_367, %swap3A_368] : memref<256x256xf32, #tpu.memory_space<vmem>>, vector<256x256xf32>
    tpu.vector_store %arg11[%swap3A_367, %swap3A_368], %broadcast_in_dim3A_366 {strides = array<i32>} : memref<256x256xf32, #tpu.memory_space<vmem>>, vector<256x256xf32>,
    %broadcast_in_dim3A_370 = arith.constant 0 : i32
    %broadcast_in_dim3A_371 = vector.broadcast %broadcast_in_dim3A_370 : i32 to vector<256x256xi32>
    %swap3A_372 = arith.constant 0 : index
    %swap3A_373 = arith.constant 0 : index
    %swap3A_374 = vector.load %arg9[%swap3A_372, %swap3A_373] : memref<256x256xi32, #tpu.memory_space<vmem>>, vector<256x256xi32>
    tpu.vector_store %arg9[%swap3A_372, %swap3A_373], %broadcast_in_dim3A_371 {strides = array<i32>} : memref<256x256xi32, #tpu.memory_space<vmem>>, vector<256x256xi32>,
    %gt3A_375 = arith.constant 5.000000e-01 : f32
    %gt3A_376 = vector.broadcast %gt3A_375 : f32 to vector<256x256xf32>
    %gt3A_377 = arith.cmpf ogt, %logistic3A_34, %gt3A_376 : vector<256x256xf32>
    %iota3A_378 = tpu.iota {dimensions = array<i32: 0>} : vector<256x256xi32>
    %iota3A_379 = tpu.iota {dimensions = array<i32: 1>} : vector<256x256xi32>
    %mul3A_380 = arith.constant 256 : i32
    %mul3A_381 = vector.broadcast %mul3A_380 : i32 to vector<256x256xi32>
    %mul3A_382 = arith.muli %iota3A_378, %mul3A_381 : vector<256x256xi32>
    %add3A_383 = arith.addi %mul3A_382, %iota3A_379 : vector<256x256xi32>
    %iota3A_384 = tpu.iota {dimensions = array<i32: 1>} : vector<1x256xi32>
    %get3A_385 = arith.constant 0 : index
    %get3A_386 = arith.constant 0 : index
    %get3A_387 = vector.load %arg10[%get3A_385, %get3A_386] : memref<256x256xf32, #tpu.memory_space<vmem>>, vector<256x256xf32>
    %reduce_sum3A = vector.shape_cast %get3A_387 : vector<256x256xf32> to vector<1x256x256xf32>
    %reduce_sum3A_388 = arith.constant dense<0.000000e+00> : vector<1xf32>
    %reduce_sum3A_389 = vector.multi_reduction <add>, %reduce_sum3A, %reduce_sum3A_388 [1, 2] : vector<1x256x256xf32> to vector<1xf32>
    %reduce_sum3A_390 = vector.shape_cast %reduce_sum3A_389 : vector<1xf32> to vector<1x1x1xf32>
    %reduce_sum3A_391 = vector.extract %reduce_sum3A_390[0, 0, 0] : f32 from vector<1x1x1xf32>
    %while3A = arith.constant 1 : i32
    %while3A_392:2 = scf.while (%while3A_400 = %while3A, %while3A_401 = %reduce_sum3A_391) : (i32, f32) -> (i32, f32) {
      %gt3A_402 = arith.constant 0.000000e+00 : f32
      %gt3A_403 = arith.cmpf ogt, %while3A_401, %gt3A_402 : f32
      scf.condition(%gt3A_403) %while3A_400, %while3A_401 : i32, f32
    } do {
    ^bb0(%while3A_400: i32, %while3A_401: f32):
      %get3A_402 = arith.constant 0 : index
      %get3A_403 = arith.constant 0 : index
      %get3A_404 = vector.load %arg10[%get3A_402, %get3A_403] : memref<256x256xf32, #tpu.memory_space<vmem>>, vector<256x256xf32>
      %mul3A_405 = arith.mulf %logistic3A_34, %get3A_404 : vector<256x256xf32>
      %reduce_max3A = vector.shape_cast %mul3A_405 : vector<256x256xf32> to vector<1x256x256xf32>
      %reduce_max3A_406 = arith.constant dense<0xFF800000> : vector<1xf32>
      %reduce_max3A_407 = vector.multi_reduction <maximumf>, %reduce_max3A, %reduce_max3A_406 [1, 2] : vector<1x256x256xf32> to vector<1xf32>
      %reduce_max3A_408 = vector.shape_cast %reduce_max3A_407 : vector<1xf32> to vector<1x1x1xf32>
      %reduce_max3A_409 = vector.extract %reduce_max3A_408[0, 0, 0] : f32 from vector<1x1x1xf32>
      %eq3A = vector.broadcast %reduce_max3A_409 : f32 to vector<256x256xf32>
      %eq3A_410 = arith.cmpf oeq, %mul3A_405, %eq3A : vector<256x256xf32>
      %jit3A = arith.constant 1073741824 : i32
      %broadcast_in_dim3A_411 = vector.broadcast %jit3A : i32 to vector<256x256xi32>
      %select_n3A = arith.select %eq3A_410, %add3A_383, %broadcast_in_dim3A_411 : vector<256x256xi1>, vector<256x256xi32>
      %reduce_min3A = vector.shape_cast %select_n3A : vector<256x256xi32> to vector<1x256x256xi32>
      %reduce_min3A_412 = arith.constant dense<2147483647> : vector<1xi32>
      %reduce_min3A_413 = vector.multi_reduction <minsi>, %reduce_min3A, %reduce_min3A_412 [1, 2] : vector<1x256x256xi32> to vector<1xi32>
      %reduce_min3A_414 = vector.shape_cast %reduce_min3A_413 : vector<1xi32> to vector<1x1x1xi32>
      %reduce_min3A_415 = vector.extract %reduce_min3A_414[0, 0, 0] : i32 from vector<1x1x1xi32>
      %jit3A_416 = arith.constant 256 : i32
      %div3A = arith.divsi %reduce_min3A_415, %jit3A_416 : i32
      %sign3A = arith.constant 0 : i32
      %sign3A_417 = arith.cmpi sgt, %reduce_min3A_415, %sign3A : i32
      %sign3A_418 = arith.extui %sign3A_417 : i1 to i32
      %sign3A_419 = arith.constant 0 : i32
      %sign3A_420 = arith.cmpi slt, %reduce_min3A_415, %sign3A_419 : i32
      %sign3A_421 = arith.extui %sign3A_420 : i1 to i32
      %sign3A_422 = arith.subi %sign3A_418, %sign3A_421 : i32
      %sign3A_423 = arith.constant 0 : i32
      %sign3A_424 = arith.cmpi sgt, %jit3A_416, %sign3A_423 : i32
      %sign3A_425 = arith.extui %sign3A_424 : i1 to i32
      %sign3A_426 = arith.constant 0 : i32
      %sign3A_427 = arith.cmpi slt, %jit3A_416, %sign3A_426 : i32
      %sign3A_428 = arith.extui %sign3A_427 : i1 to i32
      %sign3A_429 = arith.subi %sign3A_425, %sign3A_428 : i32
      %ne3A = arith.cmpi ne, %sign3A_422, %sign3A_429 : i32
      %rem3A = arith.remsi %reduce_min3A_415, %jit3A_416 : i32
      %ne3A_430 = arith.constant 0 : i32
      %ne3A_431 = arith.cmpi ne, %rem3A, %ne3A_430 : i32
      %and3A_432 = arith.andi %ne3A, %ne3A_431 : i1
      %sub3A = arith.constant 1 : i32
      %sub3A_433 = arith.subi %div3A, %sub3A : i32
      %select_n3A_434 = arith.select %and3A_432, %sub3A_433, %div3A : i32
      %mul3A_435 = arith.constant 256 : i32
      %mul3A_436 = arith.muli %select_n3A_434, %mul3A_435 : i32
      %sub3A_437 = arith.subi %reduce_min3A_415, %mul3A_436 : i32
      %eq3A_438 = vector.broadcast %sub3A_437 : i32 to vector<1x256xi32>
      %eq3A_439 = arith.cmpi eq, %iota3A_384, %eq3A_438 : vector<1x256xi32>
      %convert_element_type3A_440 = arith.extui %eq3A_439 : vector<1x256xi1> to vector<1x256xi32>
      %convert_element_type3A_441 = arith.sitofp %convert_element_type3A_440 : vector<1x256xi32> to vector<1x256xf32>
      %get3A_442 = arith.index_cast %select_n3A_434 : i32 to index
      %get3A_443 = arith.constant 0 : index
      %get3A_444 = vector.load %arg5[%get3A_442, %get3A_443] : memref<256x256xf32, #tpu.memory_space<vmem>>, vector<1x256xf32>
      %mul3A_445 = arith.mulf %get3A_444, %convert_element_type3A_441 : vector<1x256xf32>
      %reduce_sum3A_446 = vector.shape_cast %mul3A_445 : vector<1x256xf32> to vector<1x1x256xf32>
      %reduce_sum3A_447 = arith.constant dense<0.000000e+00> : vector<1xf32>
      %reduce_sum3A_448 = vector.multi_reduction <add>, %reduce_sum3A_446, %reduce_sum3A_447 [1, 2] : vector<1x1x256xf32> to vector<1xf32>
      %reduce_sum3A_449 = vector.shape_cast %reduce_sum3A_448 : vector<1xf32> to vector<1x1x1xf32>
      %reduce_sum3A_450 = vector.extract %reduce_sum3A_449[0, 0, 0] : f32 from vector<1x1x1xf32>
      %get3A_451 = arith.index_cast %select_n3A_434 : i32 to index
      %get3A_452 = arith.constant 0 : index
      %get3A_453 = vector.load %arg6[%get3A_451, %get3A_452] : memref<256x256xf32, #tpu.memory_space<vmem>>, vector<1x256xf32>
      %mul3A_454 = arith.mulf %get3A_453, %convert_element_type3A_441 : vector<1x256xf32>
      %reduce_sum3A_455 = vector.shape_cast %mul3A_454 : vector<1x256xf32> to vector<1x1x256xf32>
      %reduce_sum3A_456 = arith.constant dense<0.000000e+00> : vector<1xf32>
      %reduce_sum3A_457 = vector.multi_reduction <add>, %reduce_sum3A_455, %reduce_sum3A_456 [1, 2] : vector<1x1x256xf32> to vector<1xf32>
      %reduce_sum3A_458 = vector.shape_cast %reduce_sum3A_457 : vector<1xf32> to vector<1x1x1xf32>
      %reduce_sum3A_459 = vector.extract %reduce_sum3A_458[0, 0, 0] : f32 from vector<1x1x1xf32>
      %get3A_460 = arith.index_cast %select_n3A_434 : i32 to index
      %get3A_461 = arith.constant 0 : index
      %get3A_462 = vector.load %arg7[%get3A_460, %get3A_461] : memref<256x256xf32, #tpu.memory_space<vmem>>, vector<1x256xf32>
      %mul3A_463 = arith.mulf %get3A_462, %convert_element_type3A_441 : vector<1x256xf32>
      %reduce_sum3A_464 = vector.shape_cast %mul3A_463 : vector<1x256xf32> to vector<1x1x256xf32>
      %reduce_sum3A_465 = arith.constant dense<0.000000e+00> : vector<1xf32>
      %reduce_sum3A_466 = vector.multi_reduction <add>, %reduce_sum3A_464, %reduce_sum3A_465 [1, 2] : vector<1x1x256xf32> to vector<1xf32>
      %reduce_sum3A_467 = vector.shape_cast %reduce_sum3A_466 : vector<1xf32> to vector<1x1x1xf32>
      %reduce_sum3A_468 = vector.extract %reduce_sum3A_467[0, 0, 0] : f32 from vector<1x1x1xf32>
      %get3A_469 = arith.index_cast %select_n3A_434 : i32 to index
      %get3A_470 = arith.constant 0 : index
      %get3A_471 = vector.load %arg8[%get3A_469, %get3A_470] : memref<256x256xf32, #tpu.memory_space<vmem>>, vector<1x256xf32>
      %mul3A_472 = arith.mulf %get3A_471, %convert_element_type3A_441 : vector<1x256xf32>
      %reduce_sum3A_473 = vector.shape_cast %mul3A_472 : vector<1x256xf32> to vector<1x1x256xf32>
      %reduce_sum3A_474 = arith.constant dense<0.000000e+00> : vector<1xf32>
      %reduce_sum3A_475 = vector.multi_reduction <add>, %reduce_sum3A_473, %reduce_sum3A_474 [1, 2] : vector<1x1x256xf32> to vector<1xf32>
      %reduce_sum3A_476 = vector.shape_cast %reduce_sum3A_475 : vector<1xf32> to vector<1x1x1xf32>
      %reduce_sum3A_477 = vector.extract %reduce_sum3A_476[0, 0, 0] : f32 from vector<1x1x1xf32>
      %get3A_478 = arith.constant 0 : index
      %get3A_479 = arith.constant 0 : index
      %get3A_480 = vector.load %arg5[%get3A_478, %get3A_479] : memref<256x256xf32, #tpu.memory_space<vmem>>, vector<256x256xf32>
      %sub3A_481 = vector.broadcast %reduce_sum3A_450 : f32 to vector<256x256xf32>
      %sub3A_482 = arith.subf %get3A_480, %sub3A_481 : vector<256x256xf32>
      %get3A_483 = arith.constant 0 : index
      %get3A_484 = arith.constant 0 : index
      %get3A_485 = vector.load %arg6[%get3A_483, %get3A_484] : memref<256x256xf32, #tpu.memory_space<vmem>>, vector<256x256xf32>
      %sub3A_486 = vector.broadcast %reduce_sum3A_459 : f32 to vector<256x256xf32>
      %sub3A_487 = arith.subf %get3A_485, %sub3A_486 : vector<256x256xf32>
      %mul3A_488 = arith.mulf %sub3A_482, %sub3A_482 : vector<256x256xf32>
      %mul3A_489 = vector.broadcast %reduce_sum3A_468 : f32 to vector<256x256xf32>
      %mul3A_490 = arith.mulf %mul3A_488, %mul3A_489 : vector<256x256xf32>
      %mul3A_491 = arith.mulf %sub3A_487, %sub3A_487 : vector<256x256xf32>
      %mul3A_492 = vector.broadcast %reduce_sum3A_477 : f32 to vector<256x256xf32>
      %mul3A_493 = arith.mulf %mul3A_491, %mul3A_492 : vector<256x256xf32>
      %add3A_494 = arith.addf %mul3A_490, %mul3A_493 : vector<256x256xf32>
      %mul3A_495 = arith.constant -1.000000e+00 : f32
      %mul3A_496 = vector.broadcast %mul3A_495 : f32 to vector<256x256xf32>
      %mul3A_497 = arith.mulf %mul3A_496, %add3A_494 : vector<256x256xf32>
      %exp3A_498 = math.exp %mul3A_497 : vector<256x256xf32>
      %get3A_499 = arith.constant 0 : index
      %get3A_500 = arith.constant 0 : index
      %get3A_501 = vector.load %arg11[%get3A_499, %get3A_500] : memref<256x256xf32, #tpu.memory_space<vmem>>, vector<256x256xf32>
      %get3A_502 = arith.constant 0 : index
      %get3A_503 = arith.constant 0 : index
      %get3A_504 = vector.load %arg9[%get3A_502, %get3A_503] : memref<256x256xi32, #tpu.memory_space<vmem>>, vector<256x256xi32>
      %gt3A_505 = arith.cmpf ogt, %exp3A_498, %get3A_501 : vector<256x256xf32>
      %gt3A_506 = arith.constant 5.000000e-01 : f32
      %gt3A_507 = vector.broadcast %gt3A_506 : f32 to vector<256x256xf32>
      %gt3A_508 = arith.cmpf ogt, %exp3A_498, %gt3A_507 : vector<256x256xf32>
      %and3A_509 = arith.andi %gt3A_505, %gt3A_508 : vector<256x256xi1>
      %and3A_510 = arith.andi %and3A_509, %gt3A_377 : vector<256x256xi1>
      %convert_element_type3A_511 = arith.extui %and3A_510 : vector<256x256xi1> to vector<256x256xi32>
      %convert_element_type3A_512 = arith.sitofp %convert_element_type3A_511 : vector<256x256xi32> to vector<256x256xf32>
      %reduce_sum3A_513 = vector.shape_cast %convert_element_type3A_512 : vector<256x256xf32> to vector<1x256x256xf32>
      %reduce_sum3A_514 = arith.constant dense<0.000000e+00> : vector<1xf32>
      %reduce_sum3A_515 = vector.multi_reduction <add>, %reduce_sum3A_513, %reduce_sum3A_514 [1, 2] : vector<1x256x256xf32> to vector<1xf32>
      %reduce_sum3A_516 = vector.shape_cast %reduce_sum3A_515 : vector<1xf32> to vector<1x1x1xf32>
      %reduce_sum3A_517 = vector.extract %reduce_sum3A_516[0, 0, 0] : f32 from vector<1x1x1xf32>
      %gt3A_518 = arith.constant 0 : i32
      %gt3A_519 = vector.broadcast %gt3A_518 : i32 to vector<256x256xi32>
      %gt3A_520 = arith.cmpi sgt, %get3A_504, %gt3A_519 : vector<256x256xi32>
      %gt3A_521 = arith.constant 5.000000e-01 : f32
      %gt3A_522 = vector.broadcast %gt3A_521 : f32 to vector<256x256xf32>
      %gt3A_523 = arith.cmpf ogt, %exp3A_498, %gt3A_522 : vector<256x256xf32>
      %and3A_524 = arith.andi %gt3A_520, %gt3A_523 : vector<256x256xi1>
      %convert_element_type3A_525 = arith.extui %and3A_524 : vector<256x256xi1> to vector<256x256xi32>
      %convert_element_type3A_526 = arith.sitofp %convert_element_type3A_525 : vector<256x256xi32> to vector<256x256xf32>
      %reduce_sum3A_527 = vector.shape_cast %convert_element_type3A_526 : vector<256x256xf32> to vector<1x256x256xf32>
      %reduce_sum3A_528 = arith.constant dense<0.000000e+00> : vector<1xf32>
      %reduce_sum3A_529 = vector.multi_reduction <add>, %reduce_sum3A_527, %reduce_sum3A_528 [1, 2] : vector<1x256x256xf32> to vector<1xf32>
      %reduce_sum3A_530 = vector.shape_cast %reduce_sum3A_529 : vector<1xf32> to vector<1x1x1xf32>
      %reduce_sum3A_531 = vector.extract %reduce_sum3A_530[0, 0, 0] : f32 from vector<1x1x1xf32>
      %gt3A_532 = arith.constant 0.000000e+00 : f32
      %gt3A_533 = arith.cmpf ogt, %reduce_sum3A_517, %gt3A_532 : f32
      %mul3A_534 = arith.constant 2.000000e+00 : f32
      %mul3A_535 = arith.mulf %mul3A_534, %reduce_sum3A_531 : f32
      %lt3A = arith.cmpf olt, %mul3A_535, %reduce_sum3A_517 : f32
      %and3A_536 = arith.andi %gt3A_533, %lt3A : i1
      %ge3A_537 = arith.constant 1.000000e+01 : f32
      %ge3A_538 = arith.cmpf oge, %reduce_sum3A_517, %ge3A_537 : f32
      %and3A_539 = arith.andi %and3A_536, %ge3A_538 : i1
      %and3A_540 = vector.broadcast %and3A_539 : i1 to vector<256x256xi1>
      %and3A_541 = arith.andi %and3A_540, %and3A_510 : vector<256x256xi1>
      %broadcast_in_dim3A_542 = vector.broadcast %while3A_400 : i32 to vector<256x256xi32>
      %select_n3A_543 = arith.select %and3A_541, %broadcast_in_dim3A_542, %get3A_504 : vector<256x256xi1>, vector<256x256xi32>
      %swap3A_544 = arith.constant 0 : index
      %swap3A_545 = arith.constant 0 : index
      %swap3A_546 = vector.load %arg9[%swap3A_544, %swap3A_545] : memref<256x256xi32, #tpu.memory_space<vmem>>, vector<256x256xi32>
      tpu.vector_store %arg9[%swap3A_544, %swap3A_545], %select_n3A_543 {strides = array<i32>} : memref<256x256xi32, #tpu.memory_space<vmem>>, vector<256x256xi32>,
      %jit3A_547 = arith.constant 0.000000e+00 : f32
      %broadcast_in_dim3A_548 = vector.broadcast %jit3A_547 : f32 to vector<256x256xf32>
      %select_n3A_549 = arith.select %and3A_541, %broadcast_in_dim3A_548, %get3A_404 : vector<256x256xi1>, vector<256x256xf32>
      %eq3A_550 = vector.broadcast %reduce_min3A_415 : i32 to vector<256x256xi32>
      %eq3A_551 = arith.cmpi eq, %add3A_383, %eq3A_550 : vector<256x256xi32>
      %jit3A_552 = arith.constant 0.000000e+00 : f32
      %broadcast_in_dim3A_553 = vector.broadcast %jit3A_552 : f32 to vector<256x256xf32>
      %select_n3A_554 = arith.select %eq3A_551, %broadcast_in_dim3A_553, %select_n3A_549 : vector<256x256xi1>, vector<256x256xf32>
      %swap3A_555 = arith.constant 0 : index
      %swap3A_556 = arith.constant 0 : index
      %swap3A_557 = vector.load %arg10[%swap3A_555, %swap3A_556] : memref<256x256xf32, #tpu.memory_space<vmem>>, vector<256x256xf32>
      tpu.vector_store %arg10[%swap3A_555, %swap3A_556], %select_n3A_554 {strides = array<i32>} : memref<256x256xf32, #tpu.memory_space<vmem>>, vector<256x256xf32>,
      %select_n3A_558 = arith.select %and3A_510, %exp3A_498, %get3A_501 : vector<256x256xi1>, vector<256x256xf32>
      %swap3A_559 = arith.constant 0 : index
      %swap3A_560 = arith.constant 0 : index
      %swap3A_561 = vector.load %arg11[%swap3A_559, %swap3A_560] : memref<256x256xf32, #tpu.memory_space<vmem>>, vector<256x256xf32>
      tpu.vector_store %arg11[%swap3A_559, %swap3A_560], %select_n3A_558 {strides = array<i32>} : memref<256x256xf32, #tpu.memory_space<vmem>>, vector<256x256xf32>,
      %convert_element_type3A_562 = arith.extui %and3A_539 : i1 to i32
      %add3A_563 = arith.addi %while3A_400, %convert_element_type3A_562 : i32
      %reduce_sum3A_564 = vector.shape_cast %select_n3A_554 : vector<256x256xf32> to vector<1x256x256xf32>
      %reduce_sum3A_565 = arith.constant dense<0.000000e+00> : vector<1xf32>
      %reduce_sum3A_566 = vector.multi_reduction <add>, %reduce_sum3A_564, %reduce_sum3A_565 [1, 2] : vector<1x256x256xf32> to vector<1xf32>
      %reduce_sum3A_567 = vector.shape_cast %reduce_sum3A_566 : vector<1xf32> to vector<1x1x1xf32>
      %reduce_sum3A_568 = vector.extract %reduce_sum3A_567[0, 0, 0] : f32 from vector<1x1x1xf32>
      scf.yield %add3A_563, %reduce_sum3A_568 : i32, f32
    }
    %get3A_393 = arith.constant 0 : index
    %get3A_394 = arith.constant 0 : index
    %get3A_395 = vector.load %arg9[%get3A_393, %get3A_394] : memref<256x256xi32, #tpu.memory_space<vmem>>, vector<256x256xi32>
    %convert_element_type3A_396 = arith.trunci %get3A_395 : vector<256x256xi32> to vector<256x256xi16>
    %swap3A_397 = arith.constant 0 : index
    %swap3A_398 = arith.constant 0 : index
    %swap3A_399 = vector.load %arg4[%swap3A_397, %swap3A_398] : memref<256x256xi16, #tpu.memory_space<vmem>>, vector<256x256xi16>
    tpu.vector_store %arg4[%swap3A_397, %swap3A_398], %convert_element_type3A_396 {strides = array<i32>} : memref<256x256xi16, #tpu.memory_space<vmem>>, vector<256x256xi16>,
    return
  }
}

</mosaic_0001>

<sc_bundles>
// kernel: kernel.5.cloned.1.call-start
scs
__scs_entry_jumppad:
0x0: {  	(pc) =	sbr.rel $0x88, $3  }
0x1: {  	(tag) =	ssettag $0x0;
	lr =	simm.s32 $0x1  }
0x2: {  	[smem:$0x3F9E] =	sst lr;
	_ =	strace $0xD0000000  }
0x3: {  	_ = 	snop  }
0x4: {  	_ = 	snop  }
0x5: {  	_ = 	snop  }
0x6: {  	_ = 	snop  }
0x7: {  	_ = 	snop  }
__scs_overlays_trampoline_lowered:
0x8: {  	[smem:$0x3FAD] =	sst s0  }
0x9: {  	[smem:$0x3FAE] =	sst s1  }
0xa: {  	[smem:$0x3FAF] =	sst s2  }
0xb: {  	[smem:$0x3FB0] =	sst s3  }
0xc: {  	[smem:$0x3FB1] =	sst s4  }
0xd: {  	[smem:$0x3FB2] =	sst s5  }
0xe: {  	[smem:$0x3FB3] =	sst s6  }
0xf: {  	[smem:$0x3FB4] =	sst s7  }
0x10: {  	[smem:$0x3FB5] =	sst s8  }
0x11: {  	[smem:$0x3FB6] =	sst s9;
	s0 =	simm.s32 @!p0 $0x0  }
0x12: {  	s1 =	sld [smem:$0x3F9C];
	s0 =	simm.s32 @p0 $0x1  }
0x13: {  	[smem:$0x3FB7] =	sst s0;
	s0 =	simm.s32 @!p1 $0x0  }
0x14: {  	s2 =	sld [smem:$0x3F9B];
	s0 =	simm.s32 @p1 $0x1  }
0x15: {  	[smem:$0x3FB8] =	sst s0;
	s0 =	simm.s32 @!p2 $0x0  }
0x16: {  	s3 =	sld [smem:$0x3FDB];
	s0 =	simm.s32 @p2 $0x1  }
0x17: {  	s4 =	simm.s32 $0x1BF5;
	[smem:$0x3FBA] =	sst s0  }
0x18: {  	s0 =	sld [smem:$0x3F9D];
	_ =	swait.ge [sflag:s4], $0x0  }
0x19: {  	s7 =	sld [smem:$0x3F9E]  }
0x1a: {  	s8 =	sadd.s32 $0xFFFFE003, lr  }
0x1b: {  	s9 =	sadd.s32 $0xFFFFFEF7, lr;
	s5 =	simm.s32 $0xFFFFFFFF;
	p2 =	slt.u32 s8, $0xFFFFF086  }
0x1c: {  	p1 =	slt.u32 s9, $0xF7A;
	s5 =	simm.s32 @!p2 $0x0  }
0x1d: {  	s5 =	simm.s32 @p1 $0x1;
	p0 =	seq.s32 s7, s2  }
0x1e: {  	s7 =	smul.u32 @!p0 $0xF7A, s2;
	p2 =	seq.s32 @!p0 s5, $0x0  }
0x1f: {  	s9 =	smul.u32 $0xF7A, s1;
	s8 =	simm.s32 @!p0 $0x1BF5;
	p2 =	por !p2, p0  }
0x20: {  	[sflag:s8] =	ssyncset.s32 @!p0 $0xFFFFF086;
	s6 =	sadd.s32 @!p0 s3, s7;
	s7 =	simm.s32 @!p0 $0x108  }
0x21: {  	s3 =	sadd.s32 s3, s9;
	s6 =	sadd.s32 @!p0 $0x88, s6;
	s7 =	simm.s32 @p2 $0x1082  }
0x22: {  	[simem:s7], [sflag:s8] =	dma.local @!p0 [hbm:s6], $0xF7A  }
0x23: {  	s9 =	sor.u32 $0xD0000000, s2;
	s6 =	simm.s32 $0x108;
	_ =	swait.ge @!p0 [sflag:s8], $0x0  }
0x24: {  	s3 =	sadd.s32 $0x88, s3;
	s6 =	simm.s32 @!p1 $0x1082;
	[sflag:s4] =	ssyncset.s32 $0xFFFFF086  }
0x25: {  	[simem:s6], [sflag:s4] =	dma.local [hbm:s3], $0xF7A  }
0x26: {  	[smem:$0x3F9E] =	sst s1;
	(tag) =	ssettag s2;
	_ =	strace s9  }
0x27: {  	s1 =	sld [smem:$0x3FAE]  }
0x28: {  	s2 =	sld [smem:$0x3FAF]  }
0x29: {  	s4 =	sld [smem:$0x3FB1]  }
0x2a: {  	p0 =	seq.s32 s5, $0x0;
	s5 =	sld [smem:$0x3FB2]  }
0x2b: {  	s6 =	sld [smem:$0x3FB3]  }
0x2c: {  	s7 =	sld [smem:$0x3FB4]  }
0x2d: {  	s3 =	simm.s32 $0x108;
	s8 =	sld [smem:$0x3FB5]  }
0x2e: {  	s3 =	simm.s32 @!p0 $0x1082;
	s9 =	sld [smem:$0x3FB6]  }
0x2f: {  	lr =	sadd.s32 s0, s3;
	s0 =	sld [smem:$0x3FAD]  }
0x30: {  	s3 =	sld [smem:$0x3FB0]  }
0x31: {  	[smem:$0x3FB9] =	sst s10  }
0x32: {  	s10 =	sld [smem:$0x3FB7];
	_ =	sdelay $0x3  }
0x33: {  	p0 =	seq.s32 s10, $0x1;
	s10 =	sld [smem:$0x3FB9];
	_ =	sdelay $0x3  }
0x34: {  	[smem:$0x3FB9] =	sst s10  }
0x35: {  	s10 =	sld [smem:$0x3FB8];
	_ =	sdelay $0x3  }
0x36: {  	p1 =	seq.s32 s10, $0x1;
	s10 =	sld [smem:$0x3FB9];
	_ =	sdelay $0x3  }
0x37: {  	[smem:$0x3FB9] =	sst s10  }
0x38: {  	s10 =	sld [smem:$0x3FBA]  }
0x39: {  	_ = 	snop;
	(pc) =	sbr.ind lr, $3  }
0x3a: {  	_ = 	snop  }
0x3b: {  	_ = 	snop  }
0x3c: {  	p2 =	seq.s32 s10, $0x1;
	s10 =	sld [smem:$0x3FB9]  }
0x3d: {  	_ =	shalt  }
0x3e: {  	_ =	shalt  }
0x3f: {  	_ =	shalt  }
0x40: {  	_ =	shalt  }
0x41: {  	_ =	shalt  }
0x42: {  	_ =	shalt  }
0x43: {  	_ =	shalt  }
0x44: {  	_ =	shalt  }
0x45: {  	_ =	shalt  }
0x46: {  	_ =	shalt  }
0x47: {  	_ =	shalt  }
0x48: {  	_ =	shalt  }
0x49: {  	_ =	shalt  }
0x4a: {  	_ =	shalt  }
0x4b: {  	_ =	shalt  }
0x4c: {  	_ =	shalt  }
0x4d: {  	_ =	shalt  }
0x4e: {  	_ =	shalt  }
0x4f: {  	_ =	shalt  }
0x50: {  	_ =	shalt  }
0x51: {  	_ =	shalt  }
0x52: {  	_ =	shalt  }
0x53: {  	_ =	shalt  }
0x54: {  	_ =	shalt  }
0x55: {  	_ =	shalt  }
0x56: {  	_ =	shalt  }
0x57: {  	_ =	shalt  }
0x58: {  	_ =	shalt  }
0x59: {  	_ =	shalt  }
0x5a: {  	_ =	shalt  }
0x5b: {  	_ =	shalt  }
0x5c: {  	_ =	shalt  }
0x5d: {  	_ =	shalt  }
0x5e: {  	_ =	shalt  }
0x5f: {  	_ =	shalt  }
0x60: {  	_ =	shalt  }
0x61: {  	_ =	shalt  }
0x62: {  	_ =	shalt  }
0x63: {  	_ =	shalt  }
0x64: {  	_ =	shalt  }
0x65: {  	_ =	shalt  }
0x66: {  	_ =	shalt  }
0x67: {  	_ =	shalt  }
0x68: {  	_ =	shalt  }
0x69: {  	_ =	shalt  }
0x6a: {  	_ =	shalt  }
0x6b: {  	_ =	shalt  }
0x6c: {  	_ =	shalt  }
0x6d: {  	_ =	shalt  }
0x6e: {  	_ =	shalt  }
0x6f: {  	_ =	shalt  }
0x70: {  	_ =	shalt  }
0x71: {  	_ =	shalt  }
0x72: {  	_ =	shalt  }
0x73: {  	_ =	shalt  }
0x74: {  	_ =	shalt  }
0x75: {  	_ =	shalt  }
0x76: {  	_ =	shalt  }
0x77: {  	_ =	shalt  }
0x78: {  	_ =	shalt  }
0x79: {  	_ =	shalt  }
0x7a: {  	_ =	shalt  }
0x7b: {  	_ =	shalt  }
0x7c: {  	_ =	shalt  }
0x7d: {  	_ =	shalt  }
0x7e: {  	_ =	shalt  }
0x7f: {  	_ =	shalt  }
0x80: {  	_ =	shalt  }
0x81: {  	_ =	shalt  }
0x82: {  	_ =	shalt  }
0x83: {  	_ =	shalt  }
0x84: {  	_ =	shalt  }
0x85: {  	_ =	shalt  }
0x86: {  	_ =	shalt  }
0x87: {  	_ =	shalt  }
.Lfunc_end0:
.L_simem_size_0:
called_computation_lowered:
.L_overlay_start_0:
0x88: {  	s0 =	sld [smem:$0x3FD9]  }
0x89: {  	s1 =	sld [smem:$0x3FFE];
	_ =	sdelay $0x3  }
0x8a: {  	s0 =	sadd.s32 s1, s0  }
0x8b: {  	[smem:$0x3FC5] =	sst s0  }
0x8c: {  	_ = 	snop  }
0x8d: {  	(tm) =	ssettm $0x1  }
0x8e: {  	s15 =	sld [smem:$0x3FFB];
	_ =	sdelay $0x3  }
0x8f: {  	_ =	strace s15  }
0x90: {  	s0 =	sld [smem:$0x3FFC];
	_ =	sdelay $0x3  }
0x91: {  	_ =	strace s0  }
0x92: {  	s0 =	sld [smem:$0x3FFD];
	_ =	sdelay $0x3  }
0x93: {  	_ =	strace s0  }
0x94: {  	_ =	strace $0x8FFFFFFF  }
0x95: {  	s16 =	sld [smem:$0x3FDB];
	_ =	sdelay $0x1  }
0x96: {  	s17 =	simm.s32 $_scs_section_size  }
0x97: {  	s2 =	simm.s32 $_size__tile_overlayer_lowered;
	s3 =	simm.s32 $_tile_overlayer_lowered  }
0x98: {  	s20 =	simm.s32 $0x1BFF;
	s19 =	sshll.u32 s3, $0x1;
	s0 =	sadd.s32 s17, s16  }
0x99: {  	s4 =	simm.s32 $0x0;
	s18 =	sshll.u32 s2, $0x1;
	s2 =	sadd.s32 s19, s0  }
0x9a: {  	[timem:s4], [sflag:s20] =	dma.local [hbm:s2], s18  }
0x9b: {  	_ =	swait.ge [sflag:s20], s18  }
0x9c: {  	s1 =	ssub.s32 $0x0, s18;
	[sflag:s20] =	ssyncset.done $0x0  }
0x9d: {  	[sflag:s20] =	ssyncadd.s32 s1;
	_ =	sdelay $0x1  }
0x9e: {  	s21 =	simm.s32 $0x1B8B  }
0x9f: {  	_ =	swait.ge [sflag:s21], $0x1  }
0xa0: {  	[sflag:s21] =	ssyncset.done $0x0  }
0xa1: {  	s23 =	simm.s32 $0x1B8E;
	s22 =	sld [smem:$0x3FFE];
	[sflag:s21] =	ssyncadd.s32 $0xFFFFFFFF  }
0xa2: {  	s24 =	simm.s32 $execute0_lowered;
	[smem:$0x3FD2] =	sst s23  }
0xa3: {  	s2 =	sshll.u32 s24, $0x1;
	_ =	strace $0x80000046;
	[dreg:$0x1] =	wrdreg $0xFFFFFFFF  }
0xa4: {  	s25 =	simm.s32 $_size_execute0_lowered;
	s0 =	sadd.s32 s0, s2;
	[dreg:$0x0] =	wrdreg $0x0  }
0xa5: {  	s2 =	sshll.u32 s25, $0x1;
	[dreg:$0x2] =	wrdreg s0  }
0xa6: {  	[dreg:$0x3] =	wrdreg s2  }
0xa7: {  	[dreg:$0x4] =	wrdreg $0xC0  }
0xa8: {  	_ =	task [dreg:s4], $0x5FFFF  }
0xa9: {  	[dreg:$0x1] =	wrdreg $0xFFFFFFFF  }
0xaa: {  	[dreg:$0x0] =	wrdreg $0x60  }
0xab: {  	[dreg:$0x2] =	wrdreg s22  }
0xac: {  	[dreg:$0x3] =	wrdreg $0x30800  }
0xad: {  	[dreg:$0x4] =	wrdreg $0x9  }
0xae: {  	_ =	task.clear_ibuf [dreg:s4], $0x5FFFF;
	_ =	strace $0x90000046  }
0xaf: {  	s26 =	simm.s32 $0x9;
	_ =	strace $0x80000048  }
0xb0: {  	_ =	swait.ge [sflag:s26], $0x1  }
0xb1: {  	[sflag:s26] =	ssyncadd.s32 $0xFFFFFFFF  }
0xb2: {  	_ =	strace $0x90000048  }
0xb3: {  	_ =	sfence  }
0xb4: {  	s28 =	sld [smem:$0x0];
	_ =	sdelay $0x1  }
0xb5: {  	s29 =	srdreg.scid  }
0xb6: {  	s30 =	sshll.u32 s29, $0xD;
	s31 =	sshrl.u32 s29, $0x2  }
0xb7: {  	s1 =	sand.u32 $0x1, s29;
	s2 =	sand.u32 $0x4000, s30;
	s0 =	sadd.s32 s31, s28  }
0xb8: {  	s1 =	sor.u32 s2, s1;
	s0 =	sshll.u32 s0, $0x11  }
0xb9: {  	s0 =	sor.u32 s0, s1  }
0xba: {  	s0 =	sadd.s32 $0x8F2B, s0  }
0xbb: {  	[sflag:s0] =	ssyncadd.remote.s32 $0x1  }
0xbc: {  	_ =	sfence.sel $0xFFFF  }
0xbd: {  	[dreg:$0x0] =	wrdreg $0xFFFFFFFF;
	(pc) =	sbr.abs _section_cstart, $3  }
0xbe: {  	[dreg:$0x1] =	wrdreg $0xFFFFFFFF  }
0xbf: {  	_ =	task.clear_ibuf [dreg:s4], $0x2FFFF;
	_ =	strace $0x9FFFFFFF  }
0xc0: {  	(tm) =	ssettm $0x7FFFFFFF  }
0xc1: {  	_ =	shalt  }
tec
execute0_lowered:
.L_overlay_start_1:
0x0: {  	(tag) =	ssettag $0x1  }
0x1: {  	s4 =	rddreg [dreg:$0x0];
	s1 =	stileid.u32  }
0x2: {  	s2 =	rddreg [dreg:$0x1];
	s5 =	simm.s32 $0x0;
	s3 =	sshll.u32 s1, $0x9  }
0x3: {  	[smem:$0x7FF] =	sst s5;
	s6 =	sadd.s32 s3, s4  }
0x4: {  	s0 =	rddreg [dreg:$0x2];
	_ =	strace $0x80000047;
	s6 =	sadd.s32 $0xC00, s6  }
0x5: {  	[tilespmem:s5], [sflag:$0x1] =	stream.linear.gather [hbm4b:s6+s5], $0x1000, $0x38;
	[tilespmem:$0x4100] =	vst v63  }
0x6: {  	v0 =	vimm.f32 $0.0e+00;
	s4 =	sadd.s32 $0x2C00, s4;
	s5 =	simm.s32 $0x0;
	s6 =	simm.s32 $0x200  }
.LBB2_1:
0x7: {  	p0 =	sne.s32 s6, $0x4000;
	[tilespmem:s5+$0x2070] =	vst v0  }
0x8: {  	[tilespmem:s5+$0x2000] =	vst v0  }
0x9: {  	[tilespmem:s5+$0x2010] =	vst v0  }
.Ltmp0:
0xa: {  	[tilespmem:s5+$0x2020] =	vst v0;
	(pc) =	sbr.rel @p0 .LBB2_1-.Ltmp0, $4  }
0xb: {  	[tilespmem:s5+$0x2030] =	vst v0  }
0xc: {  	[tilespmem:s5+$0x2040] =	vst v0  }
0xd: {  	[tilespmem:s5+$0x2050] =	vst v0  }
0xe: {  	[tilespmem:s5+$0x2060] =	vst v0;
	s5 =	sshra.s32 s6, $0x2;
	s6 =	sadd.s32 $0x200, s6  }
0xf: {  	[tilespmem:s5+$0x2070] =	vst v0  }
0x10: {  	[tilespmem:s5+$0x2000] =	vst v0  }
0x11: {  	[tilespmem:s5+$0x2010] =	vst v0  }
0x12: {  	[tilespmem:s5+$0x2020] =	vst v0  }
0x13: {  	[tilespmem:s5+$0x2030] =	vst v0  }
0x14: {  	[tilespmem:s5+$0x2040] =	vst v0  }
0x15: {  	[tilespmem:s5+$0x2050] =	vst v0  }
0x16: {  	[tilespmem:s5+$0x2060] =	vst v0;
	v0 =	vimm.f32 $1.000000000e+00;
	s5 =	simm.s32 $0x0;
	s6 =	simm.s32 $0x200  }
.LBB2_3:
0x17: {  	p0 =	sne.s32 s6, $0x3E00;
	[tilespmem:s5+$0x1070] =	vst v0  }
0x18: {  	[tilespmem:s5+$0x1000] =	vst v0  }
0x19: {  	[tilespmem:s5+$0x1010] =	vst v0  }
.Ltmp1:
0x1a: {  	[tilespmem:s5+$0x1020] =	vst v0;
	(pc) =	sbr.rel @p0 .LBB2_3-.Ltmp1, $4  }
0x1b: {  	[tilespmem:s5+$0x1030] =	vst v0  }
0x1c: {  	[tilespmem:s5+$0x1040] =	vst v0  }
0x1d: {  	[tilespmem:s5+$0x1050] =	vst v0  }
0x1e: {  	[tilespmem:s5+$0x1060] =	vst v0;
	s5 =	sshra.s32 s6, $0x2;
	s6 =	sadd.s32 $0x200, s6  }
0x1f: {  	[tilespmem:s5+$0x1070] =	vst v0  }
0x20: {  	[tilespmem:s5+$0x1000] =	vst v0  }
0x21: {  	[tilespmem:s5+$0x1010] =	vst v0  }
0x22: {  	[tilespmem:s5+$0x1020] =	vst v0  }
0x23: {  	[tilespmem:s5+$0x1030] =	vst v0;
	s6 =	smul.u32 $0x4200, s1  }
0x24: {  	[tilespmem:s5+$0x1040] =	vst v0  }
0x25: {  	[tilespmem:s5+$0x1050] =	vst v0;
	s6 =	sshrl.u32 s6, $0x2  }
0x26: {  	[tilespmem:s5+$0x1060] =	vst v0;
	s24 =	simm.s32 $0x2000;
	s25 =	simm.s32 $0x2;
	s23 =	sadd.s32 s6, s2  }
0x27: {  	[spmem:s23] =	stream.linear.scatter [tilespmem:s24], [sflag:$0x2], $0x1080, $0x38;
	[tilespmem:$0x4100] =	vst v63  }
0x28: {  	_ =	swait.ge [sflag:s25], $0x1080  }
0x29: {  	[sflag:s25] =	ssyncset.done $0x0  }
0x2a: {  	s26 =	simm.s32 $0x1;
	[sflag:s25] =	ssyncadd.s32 $0xFFFFEF80  }
0x2b: {  	_ =	swait.ge [sflag:s26], $0x1000  }
0x2c: {  	[sflag:s26] =	ssyncset.done $0x0  }
0x2d: {  	[sflag:s26] =	ssyncadd.s32 $0xFFFFF000  }
0x2e: {  	s28 =	simm.s32 $0x0;
	s7 =	simm.s32 $0x1000;
	[bflag:$0x0] =	sbarrier.arrive $0xFFFF  }
0x2f: {  	[spmem:s2] =	stream.indirect.scatter.add.f32 [tilespmem:s7], [sflag:$0x2], $0x1, s28, s7, $0xb8;
	[tilespmem:$0x4100] =	vst v63  }
0x30: {  	_ =	swait.ge [sflag:s25], $0x1000  }
0x31: {  	s3 =	sadd.s32 s4, s3;
	s29 =	sshll.u32 s1, $0xC;
	[sflag:s25] =	ssyncset.done $0x0  }
0x32: {  	s31 =	sshll.u32 s1, $0x6;
	s30 =	sadd.s32 s29, s2;
	[sflag:s25] =	ssyncadd.s32 $0xFFFFF000  }
0x33: {  	s4 =	sor.u32 $0x1C02, s31;
	s2 =	sshrl.u32 s30, $0x3;
	[bflag:$0x0] =	sbarrier.arrive $0xFFFF  }
0x34: {  	[hbm:s3], [sflag:s4] =	dma.local [spmem:s2], $0x200  }
0x35: {  	_ =	swait.ge [sflag:s25], $0x200  }
0x36: {  	[sflag:s25] =	ssyncset.done $0x0  }
0x37: {  	[sflag:s25] =	ssyncadd.s32 $0xFFFFFE00  }
0x38: {  	_ =	sfence.sel $0x180000  }
0x39: {  	[bflag:$0x0] =	sbarrier.arrive $0xFFFF  }
0x3a: {  	p0 =	sne.s32 s1, $0x0;
	_ =	strace $0x90000047  }
0x3b: {  	s0 =	sadd.s32 @!p0 $0x100000, s0;
	[bflag:$0x2] =	sbarrier.arrive $0xFFFF  }
0x3c: {  	[sflag:s0] =	ssyncadd.tile.s32 @!p0 $0x1;
	_ =	shalt  }
.Lfunc_end2:
_tile_overlayer_lowered:
.L_overlay_start_2:
0x3d: {  	(tag) =	ssettag $0x2  }
0x3e: {  	s0 =	rddreg [dreg:$0x0];
	s2 =	stileid.u32  }
0x3f: {  	s1 =	rddreg [dreg:$0x1];
	p0 =	sne.s32 s2, $0x0  }
0x40: {  	s3 =	rddreg [dreg:$0x2];
	[bflag:$0x3] =	sbarrier.arrive $0xFFFF;
	s2 =	simm.s32 @!p0 $0x1C02  }
0x41: {  	[timem:s3], [sflag:s2] =	dma.local @!p0 [hbm:s0], s1  }
0x42: {  	s0 =	simm.s32 @!p0 $0x2  }
0x43: {  	_ =	swait.ge @!p0 [sflag:s0], s1  }
0x44: {  	s1 =	ssub.s32 @!p0 $0x0, s1;
	[sflag:s0] =	ssyncset.done @!p0 $0x0  }
0x45: {  	[sflag:s0] =	ssyncadd.s32 @!p0 s1  }
0x46: {  	[bflag:$0x3] =	sbarrier.arrive $0xFFFF  }
0x47: {  	_ =	shalt  }

</sc_bundles>
